<compile_context>
chip_gen: v7x
topology: tpu7x:2x2x1
jax: 0.10.2.dev20260603
libtpu: 0.0.44.dev20260713+nightly
codegen_flags: <defaults>
</compile_context>

<pallas_src>
import functools

import jax
import jax.numpy as jnp
from jax import lax
from jax.experimental import pallas as pl
from jax.experimental.pallas import tpu as pltpu
from jax.experimental.pallas import tpu_sc as plsc

_TOPK = 5
_NC = 2
_NS = 16
_NW = _NC * _NS
_L = 16
_BL = 128

_NEG = float(jnp.finfo(jnp.float32).min)


@functools.lru_cache(maxsize=None)
def _build(batch: int, joints: int, interpret: bool = False):
    rows_per_w = batch // _NW
    chunk = 64
    nchunk = rows_per_w // chunk
    ngrp = chunk // _L

    mesh = plsc.VectorSubcoreMesh(
        core_axis_name="c", subcore_axis_name="s", num_cores=_NC,
        num_subcores=_NS)

    @functools.partial(
        pl.kernel,
        out_type=jax.ShapeDtypeStruct((_NW * _L,), jnp.float32),
        mesh=mesh,
        scratch_types=[
            pltpu.VMEM((2, 2, joints, chunk), jnp.float32),
            pltpu.VMEM((2, 2, joints, chunk), jnp.float32),
            pltpu.VMEM((2, joints, chunk), jnp.float32),
            pltpu.VMEM((_L,), jnp.float32),
            pltpu.SemaphoreType.DMA,
            pltpu.SemaphoreType.DMA,
        ],
        compiler_params=pltpu.CompilerParams(
            use_tc_tiling_on_sc=False, needs_layout_passes=False),
        interpret=interpret,
    )
    def sc_kernel(o_hbm, t_hbm, w_hbm, out_hbm, o_v, t_v, w_v, acc_v,
                  sem0, sem1):
        cid = lax.axis_index("c")
        sid = lax.axis_index("s")
        wid = cid * _NS + sid
        b0 = wid * rows_per_w
        sems = (sem0, sem1)
        acc_v[...] = jnp.zeros((_L,), jnp.float32)

        def copies(ci, buf):
            b = b0 + ci * chunk
            g = b // _BL
            l0 = b % _BL
            return (
                pltpu.make_async_copy(
                    o_hbm.at[:, g, 0, pl.ds(l0, chunk)], o_v.at[buf, 0],
                    sems[buf]),
                pltpu.make_async_copy(
                    o_hbm.at[:, g, 1, pl.ds(l0, chunk)], o_v.at[buf, 1],
                    sems[buf]),
                pltpu.make_async_copy(
                    t_hbm.at[:, g, 0, pl.ds(l0, chunk)], t_v.at[buf, 0],
                    sems[buf]),
                pltpu.make_async_copy(
                    t_hbm.at[:, g, 1, pl.ds(l0, chunk)], t_v.at[buf, 1],
                    sems[buf]),
                pltpu.make_async_copy(
                    w_hbm.at[:, pl.ds(b, chunk)], w_v.at[buf], sems[buf]),
            )

        def start(ci, buf):
            for c in copies(ci, buf):
                c.start()

        def wait(ci, buf):
            for c in copies(ci, buf):
                c.wait()

        def process(buf):
            neg = jnp.full((_L,), _NEG, jnp.float32)

            def jbody(j, ms):
                out = []
                for gi in range(ngrp):
                    s = gi * _L
                    m1, m2, m3, m4, m5 = ms[5 * gi:5 * gi + 5]
                    o0 = o_v[buf, 0, j, pl.ds(s, _L)]
                    o1 = o_v[buf, 1, j, pl.ds(s, _L)]
                    t0 = t_v[buf, 0, j, pl.ds(s, _L)]
                    t1 = t_v[buf, 1, j, pl.ds(s, _L)]
                    tw = w_v[buf, j, pl.ds(s, _L)]
                    d0 = o0 - t0
                    d1 = o1 - t1
                    v = (d0 * d0 + d1 * d1) * tw
                    n1 = jnp.maximum(m1, v)
                    r = jnp.minimum(m1, v)
                    n2 = jnp.maximum(m2, r)
                    r = jnp.minimum(m2, r)
                    n3 = jnp.maximum(m3, r)
                    r = jnp.minimum(m3, r)
                    n4 = jnp.maximum(m4, r)
                    r = jnp.minimum(m4, r)
                    n5 = jnp.maximum(m5, r)
                    out += [n1, n2, n3, n4, n5]
                return tuple(out)

            ms = lax.fori_loop(0, joints, jbody, (neg,) * (5 * ngrp))
            tot = acc_v[...]
            for gi in range(ngrp):
                m1, m2, m3, m4, m5 = ms[5 * gi:5 * gi + 5]
                tot = tot + (m1 + m2 + m3 + m4 + m5)
            acc_v[...] = tot

        start(0, 0)

        def pipe_body(k, carry):
            ca = 2 * k
            start(ca + 1, 1)
            wait(ca, 0)
            process(0)

            @pl.when(k < (nchunk // 2) - 1)
            def _():
                start(ca + 2, 0)

            wait(ca + 1, 1)
            process(1)
            return carry

        lax.fori_loop(0, nchunk // 2, pipe_body, 0)
        pltpu.sync_copy(acc_v, out_hbm.at[pl.ds(wid * _L, _L)])

    return sc_kernel


def kernel(output, target, target_weight):
    batch, joints, _ = output.shape
    bg = batch // _BL
    o4 = output.reshape(bg, _BL, joints, 2).transpose(2, 0, 3, 1)
    t4 = target.reshape(bg, _BL, joints, 2).transpose(2, 0, 3, 1)
    wt = target_weight.T
    parts = _build(batch, joints)(o4, t4, wt)
    return jnp.sum(parts) * (1.0 / (_TOPK * batch))

# --- scband reference (transcript-rebuilt; emitter-appended) ---
"""Pipeline reference for scband-joints-ohkmcoor-loss-51221779972396 (READ-ONLY COPY).

The authoritative reference and input builder live on the scoring server;
editing this copy changes nothing except your own understanding.
"""

import jax, jax.numpy as jnp
import numpy as np

TOPK = 5

def setup_inputs(seed: int = 0) -> dict:
    key = jax.random.key(seed)
    k1, k2, k3 = jax.random.split(key, 3)
    output = jax.random.normal(k1, (16384, 133, 2), dtype=jnp.float32)
    target = jax.random.normal(k2, (16384, 133, 2), dtype=jnp.float32)
    target_weight = jax.random.uniform(k3, (16384, 133), dtype=jnp.float32)
    return {"output": output, "target": target, "target_weight": target_weight}


def reference(output, target, target_weight):
    # per-element MSE (reduction='none')
    loss = (output - target) ** 2
    # sum over coordinate dim -> [B, num_joints]
    loss = jnp.sum(loss, axis=2)
    tw = target_weight
    if tw.ndim == 3:
        tw = jnp.squeeze(tw, -1)
    loss = loss * tw
    # OHKM: per-sample top-k over joints, mean of (sum(topk)/topk) over batch
    topk_vals, _ = jax.lax.top_k(loss, TOPK)
    per_sample = jnp.sum(topk_vals, axis=1) / TOPK
    ohkm_loss = jnp.mean(per_sample)
    return ohkm_loss

if __name__ == "__main__":
    import jax
    _d = setup_inputs()
    print(jax.jit(kernel)(*tuple(_d.values())))

</pallas_src>

<mosaic_0001>
#map = affine_map<(d0, d1) -> (0, 0, 0, 0)>
#map1 = affine_map<(d0, d1) -> (0, 0)>
#map2 = affine_map<(d0, d1) -> (0)>
module attributes {stable_mosaic.version = 14 : i64} {
  func.func @sc_kernel(%arg0: i32, %arg1: i32, %arg2: memref<133x128x2x128xf32, #tpu.memory_space<hbm>>, %arg3: memref<133x128x2x128xf32, #tpu.memory_space<hbm>>, %arg4: memref<133x16384xf32, #tpu.memory_space<hbm>>, %arg5: memref<512xf32, #tpu.memory_space<hbm>>, %arg6: memref<2x2x133x64xf32, #tpu.memory_space<vmem>>, %arg7: memref<2x2x133x64xf32, #tpu.memory_space<vmem>>, %arg8: memref<2x133x64xf32, #tpu.memory_space<vmem>>, %arg9: memref<16xf32, #tpu.memory_space<vmem>>, %arg10: memref<!tpu.dma_semaphore, #tpu.memory_space<semaphore_mem>>, %arg11: memref<!tpu.dma_semaphore, #tpu.memory_space<semaphore_mem>>) attributes {dimension_semantics = [#tpu.dimension_semantics<core_parallel>, #tpu.dimension_semantics<subcore_parallel>], iteration_bounds = array<i64: 2, 16>, scalar_prefetch = 0 : i64, scratch_operands = 6 : i64, tpu.core_type = #tpu.core_type<sc_vector_subcore>, window_params = [{transform_indices = #map}, {transform_indices = #map}, {transform_indices = #map1}, {transform_indices = #map2}]} {
    %mul3A = arith.constant 16 : i32
    %mul3A_0 = arith.muli %arg0, %mul3A : i32
    %add3A = arith.addi %mul3A_0, %arg1 : i32
    %mul3A_1 = arith.constant 512 : i32
    %mul3A_2 = arith.muli %add3A, %mul3A_1 : i32
    %broadcast_in_dim3A = arith.constant 0.000000e+00 : f32
    %broadcast_in_dim3A_3 = vector.broadcast %broadcast_in_dim3A : f32 to vector<16xf32>
    %swap3A = arith.constant 0 : index
    %swap3A_4 = tpu.vector_load %arg9[%swap3A] {strides = array<i32>} : memref<16xf32, #tpu.memory_space<vmem>>, vector<16xf32>,
    tpu.vector_store %arg9[%swap3A], %broadcast_in_dim3A_3 {strides = array<i32>} : memref<16xf32, #tpu.memory_space<vmem>>, vector<16xf32>,
    %add3A_5 = arith.constant 0 : i32
    %add3A_6 = arith.addi %mul3A_2, %add3A_5 : i32
    %jit3A = arith.constant 128 : i32
    %div3A = arith.divsi %add3A_6, %jit3A : i32
    %sign3A = arith.constant 0 : i32
    %sign3A_7 = arith.cmpi sgt, %add3A_6, %sign3A : i32
    %sign3A_8 = arith.extui %sign3A_7 : i1 to i32
    %sign3A_9 = arith.constant 0 : i32
    %sign3A_10 = arith.cmpi slt, %add3A_6, %sign3A_9 : i32
    %sign3A_11 = arith.extui %sign3A_10 : i1 to i32
    %sign3A_12 = arith.subi %sign3A_8, %sign3A_11 : i32
    %sign3A_13 = arith.constant 0 : i32
    %sign3A_14 = arith.cmpi sgt, %jit3A, %sign3A_13 : i32
    %sign3A_15 = arith.extui %sign3A_14 : i1 to i32
    %sign3A_16 = arith.constant 0 : i32
    %sign3A_17 = arith.cmpi slt, %jit3A, %sign3A_16 : i32
    %sign3A_18 = arith.extui %sign3A_17 : i1 to i32
    %sign3A_19 = arith.subi %sign3A_15, %sign3A_18 : i32
    %ne3A = arith.cmpi ne, %sign3A_12, %sign3A_19 : i32
    %rem3A = arith.remsi %add3A_6, %jit3A : i32
    %ne3A_20 = arith.constant 0 : i32
    %ne3A_21 = arith.cmpi ne, %rem3A, %ne3A_20 : i32
    %and3A = arith.andi %ne3A, %ne3A_21 : i1
    %sub3A = arith.constant 1 : i32
    %sub3A_22 = arith.subi %div3A, %sub3A : i32
    %select_n3A = arith.select %and3A, %sub3A_22, %div3A : i32
    %jit3A_23 = arith.constant 128 : i32
    %eq3A = arith.constant 0 : i32
    %eq3A_24 = arith.cmpi eq, %jit3A_23, %eq3A : i32
    %jit3A_25 = arith.constant 1 : i32
    %select_n3A_26 = arith.select %eq3A_24, %jit3A_25, %jit3A_23 : i32
    %rem3A_27 = arith.remsi %add3A_6, %select_n3A_26 : i32
    %ne3A_28 = arith.constant 0 : i32
    %ne3A_29 = arith.cmpi ne, %rem3A_27, %ne3A_28 : i32
    %lt3A = arith.constant 0 : i32
    %lt3A_30 = arith.cmpi slt, %rem3A_27, %lt3A : i32
    %lt3A_31 = arith.constant 0 : i32
    %lt3A_32 = arith.cmpi slt, %select_n3A_26, %lt3A_31 : i32
    %ne3A_33 = arith.xori %lt3A_30, %lt3A_32 : i1
    %and3A_34 = arith.andi %ne3A_33, %ne3A_29 : i1
    %add3A_35 = arith.addi %rem3A_27, %select_n3A_26 : i32
    %select_n3A_36 = arith.select %and3A_34, %add3A_35, %rem3A_27 : i32
    %dma_start3A = arith.constant 0 : i32
    %dma_start3A_37 = arith.constant 0 : i32
    %dma_start3A_38 = arith.constant 0 : i32
    %dma_start3A_39 = arith.constant 0 : i32
    %dma_start3A_40 = arith.constant 0 : i32
    %dma_start3A_41 = tpu.memref_slice %arg6[%dma_start3A_37, %dma_start3A_38, %dma_start3A_39, %dma_start3A_40] : memref<2x2x133x64xf32, #tpu.memory_space<vmem>> -> memref<1x1x133x64xf32, #tpu.memory_space<vmem>>
    %dma_start3A_42 = tpu.memref_squeeze %dma_start3A_41 : memref<1x1x133x64xf32, #tpu.memory_space<vmem>> -> memref<133x64xf32, #tpu.memory_space<vmem>>
    %dma_start3A_43 = arith.constant 0 : i32
    %dma_start3A_44 = tpu.memref_slice %arg2[%dma_start3A_43, %select_n3A, %dma_start3A, %select_n3A_36] : memref<133x128x2x128xf32, #tpu.memory_space<hbm>> -> memref<133x1x1x64xf32, #tpu.memory_space<hbm>>
    %dma_start3A_45 = tpu.memref_squeeze %dma_start3A_44 : memref<133x1x1x64xf32, #tpu.memory_space<hbm>> -> memref<133x64xf32, #tpu.memory_space<hbm>>
    %dma_start3A_46 = arith.constant 0 : i32
    %dma_start3A_47 = arith.constant 0 : i32
    %dma_start3A_48 = tpu.memref_slice %arg6[%dma_start3A_37, %dma_start3A_38, %dma_start3A_46, %dma_start3A_47] : memref<2x2x133x64xf32, #tpu.memory_space<vmem>> -> memref<1x1x133x64xf32, #tpu.memory_space<vmem>>
    %dma_start3A_49 = tpu.memref_squeeze %dma_start3A_48 : memref<1x1x133x64xf32, #tpu.memory_space<vmem>> -> memref<133x64xf32, #tpu.memory_space<vmem>>
    %dma_start3A_50 = arith.constant 0 : i32
    %dma_start3A_51 = tpu.memref_slice %arg2[%dma_start3A_50, %select_n3A, %dma_start3A, %select_n3A_36] : memref<133x128x2x128xf32, #tpu.memory_space<hbm>> -> memref<133x1x1x64xf32, #tpu.memory_space<hbm>>
    %dma_start3A_52 = tpu.memref_squeeze %dma_start3A_51 : memref<133x1x1x64xf32, #tpu.memory_space<hbm>> -> memref<133x64xf32, #tpu.memory_space<hbm>>
    tpu.enqueue_dma source(%dma_start3A_52 : memref<133x64xf32, #tpu.memory_space<hbm>>) target(%dma_start3A_49 : memref<133x64xf32, #tpu.memory_space<vmem>>) target_semaphore(%arg10 : memref<!tpu.dma_semaphore, #tpu.memory_space<semaphore_mem>>)
    %dma_start3A_53 = arith.constant 1 : i32
    %dma_start3A_54 = arith.constant 0 : i32
    %dma_start3A_55 = arith.constant 1 : i32
    %dma_start3A_56 = arith.constant 0 : i32
    %dma_start3A_57 = arith.constant 0 : i32
    %dma_start3A_58 = tpu.memref_slice %arg6[%dma_start3A_54, %dma_start3A_55, %dma_start3A_56, %dma_start3A_57] : memref<2x2x133x64xf32, #tpu.memory_space<vmem>> -> memref<1x1x133x64xf32, #tpu.memory_space<vmem>>
    %dma_start3A_59 = tpu.memref_squeeze %dma_start3A_58 : memref<1x1x133x64xf32, #tpu.memory_space<vmem>> -> memref<133x64xf32, #tpu.memory_space<vmem>>
    %dma_start3A_60 = arith.constant 0 : i32
    %dma_start3A_61 = tpu.memref_slice %arg2[%dma_start3A_60, %select_n3A, %dma_start3A_53, %select_n3A_36] : memref<133x128x2x128xf32, #tpu.memory_space<hbm>> -> memref<133x1x1x64xf32, #tpu.memory_space<hbm>>
    %dma_start3A_62 = tpu.memref_squeeze %dma_start3A_61 : memref<133x1x1x64xf32, #tpu.memory_space<hbm>> -> memref<133x64xf32, #tpu.memory_space<hbm>>
    %dma_start3A_63 = arith.constant 0 : i32
    %dma_start3A_64 = arith.constant 0 : i32
    %dma_start3A_65 = tpu.memref_slice %arg6[%dma_start3A_54, %dma_start3A_55, %dma_start3A_63, %dma_start3A_64] : memref<2x2x133x64xf32, #tpu.memory_space<vmem>> -> memref<1x1x133x64xf32, #tpu.memory_space<vmem>>
    %dma_start3A_66 = tpu.memref_squeeze %dma_start3A_65 : memref<1x1x133x64xf32, #tpu.memory_space<vmem>> -> memref<133x64xf32, #tpu.memory_space<vmem>>
    %dma_start3A_67 = arith.constant 0 : i32
    %dma_start3A_68 = tpu.memref_slice %arg2[%dma_start3A_67, %select_n3A, %dma_start3A_53, %select_n3A_36] : memref<133x128x2x128xf32, #tpu.memory_space<hbm>> -> memref<133x1x1x64xf32, #tpu.memory_space<hbm>>
    %dma_start3A_69 = tpu.memref_squeeze %dma_start3A_68 : memref<133x1x1x64xf32, #tpu.memory_space<hbm>> -> memref<133x64xf32, #tpu.memory_space<hbm>>
    tpu.enqueue_dma source(%dma_start3A_69 : memref<133x64xf32, #tpu.memory_space<hbm>>) target(%dma_start3A_66 : memref<133x64xf32, #tpu.memory_space<vmem>>) target_semaphore(%arg10 : memref<!tpu.dma_semaphore, #tpu.memory_space<semaphore_mem>>)
    %dma_start3A_70 = arith.constant 0 : i32
    %dma_start3A_71 = arith.constant 0 : i32
    %dma_start3A_72 = arith.constant 0 : i32
    %dma_start3A_73 = arith.constant 0 : i32
    %dma_start3A_74 = arith.constant 0 : i32
    %dma_start3A_75 = tpu.memref_slice %arg7[%dma_start3A_71, %dma_start3A_72, %dma_start3A_73, %dma_start3A_74] : memref<2x2x133x64xf32, #tpu.memory_space<vmem>> -> memref<1x1x133x64xf32, #tpu.memory_space<vmem>>
    %dma_start3A_76 = tpu.memref_squeeze %dma_start3A_75 : memref<1x1x133x64xf32, #tpu.memory_space<vmem>> -> memref<133x64xf32, #tpu.memory_space<vmem>>
    %dma_start3A_77 = arith.constant 0 : i32
    %dma_start3A_78 = tpu.memref_slice %arg3[%dma_start3A_77, %select_n3A, %dma_start3A_70, %select_n3A_36] : memref<133x128x2x128xf32, #tpu.memory_space<hbm>> -> memref<133x1x1x64xf32, #tpu.memory_space<hbm>>
    %dma_start3A_79 = tpu.memref_squeeze %dma_start3A_78 : memref<133x1x1x64xf32, #tpu.memory_space<hbm>> -> memref<133x64xf32, #tpu.memory_space<hbm>>
    %dma_start3A_80 = arith.constant 0 : i32
    %dma_start3A_81 = arith.constant 0 : i32
    %dma_start3A_82 = tpu.memref_slice %arg7[%dma_start3A_71, %dma_start3A_72, %dma_start3A_80, %dma_start3A_81] : memref<2x2x133x64xf32, #tpu.memory_space<vmem>> -> memref<1x1x133x64xf32, #tpu.memory_space<vmem>>
    %dma_start3A_83 = tpu.memref_squeeze %dma_start3A_82 : memref<1x1x133x64xf32, #tpu.memory_space<vmem>> -> memref<133x64xf32, #tpu.memory_space<vmem>>
    %dma_start3A_84 = arith.constant 0 : i32
    %dma_start3A_85 = tpu.memref_slice %arg3[%dma_start3A_84, %select_n3A, %dma_start3A_70, %select_n3A_36] : memref<133x128x2x128xf32, #tpu.memory_space<hbm>> -> memref<133x1x1x64xf32, #tpu.memory_space<hbm>>
    %dma_start3A_86 = tpu.memref_squeeze %dma_start3A_85 : memref<133x1x1x64xf32, #tpu.memory_space<hbm>> -> memref<133x64xf32, #tpu.memory_space<hbm>>
    tpu.enqueue_dma source(%dma_start3A_86 : memref<133x64xf32, #tpu.memory_space<hbm>>) target(%dma_start3A_83 : memref<133x64xf32, #tpu.memory_space<vmem>>) target_semaphore(%arg10 : memref<!tpu.dma_semaphore, #tpu.memory_space<semaphore_mem>>)
    %dma_start3A_87 = arith.constant 1 : i32
    %dma_start3A_88 = arith.constant 0 : i32
    %dma_start3A_89 = arith.constant 1 : i32
    %dma_start3A_90 = arith.constant 0 : i32
    %dma_start3A_91 = arith.constant 0 : i32
    %dma_start3A_92 = tpu.memref_slice %arg7[%dma_start3A_88, %dma_start3A_89, %dma_start3A_90, %dma_start3A_91] : memref<2x2x133x64xf32, #tpu.memory_space<vmem>> -> memref<1x1x133x64xf32, #tpu.memory_space<vmem>>
    %dma_start3A_93 = tpu.memref_squeeze %dma_start3A_92 : memref<1x1x133x64xf32, #tpu.memory_space<vmem>> -> memref<133x64xf32, #tpu.memory_space<vmem>>
    %dma_start3A_94 = arith.constant 0 : i32
    %dma_start3A_95 = tpu.memref_slice %arg3[%dma_start3A_94, %select_n3A, %dma_start3A_87, %select_n3A_36] : memref<133x128x2x128xf32, #tpu.memory_space<hbm>> -> memref<133x1x1x64xf32, #tpu.memory_space<hbm>>
    %dma_start3A_96 = tpu.memref_squeeze %dma_start3A_95 : memref<133x1x1x64xf32, #tpu.memory_space<hbm>> -> memref<133x64xf32, #tpu.memory_space<hbm>>
    %dma_start3A_97 = arith.constant 0 : i32
    %dma_start3A_98 = arith.constant 0 : i32
    %dma_start3A_99 = tpu.memref_slice %arg7[%dma_start3A_88, %dma_start3A_89, %dma_start3A_97, %dma_start3A_98] : memref<2x2x133x64xf32, #tpu.memory_space<vmem>> -> memref<1x1x133x64xf32, #tpu.memory_space<vmem>>
    %dma_start3A_100 = tpu.memref_squeeze %dma_start3A_99 : memref<1x1x133x64xf32, #tpu.memory_space<vmem>> -> memref<133x64xf32, #tpu.memory_space<vmem>>
    %dma_start3A_101 = arith.constant 0 : i32
    %dma_start3A_102 = tpu.memref_slice %arg3[%dma_start3A_101, %select_n3A, %dma_start3A_87, %select_n3A_36] : memref<133x128x2x128xf32, #tpu.memory_space<hbm>> -> memref<133x1x1x64xf32, #tpu.memory_space<hbm>>
    %dma_start3A_103 = tpu.memref_squeeze %dma_start3A_102 : memref<133x1x1x64xf32, #tpu.memory_space<hbm>> -> memref<133x64xf32, #tpu.memory_space<hbm>>
    tpu.enqueue_dma source(%dma_start3A_103 : memref<133x64xf32, #tpu.memory_space<hbm>>) target(%dma_start3A_100 : memref<133x64xf32, #tpu.memory_space<vmem>>) target_semaphore(%arg10 : memref<!tpu.dma_semaphore, #tpu.memory_space<semaphore_mem>>)
    %dma_start3A_104 = arith.constant 0 : i32
    %dma_start3A_105 = arith.constant 0 : i32
    %dma_start3A_106 = arith.constant 0 : i32
    %dma_start3A_107 = tpu.memref_slice %arg8[%dma_start3A_104, %dma_start3A_105, %dma_start3A_106] : memref<2x133x64xf32, #tpu.memory_space<vmem>> -> memref<1x133x64xf32, #tpu.memory_space<vmem>>
    %dma_start3A_108 = tpu.memref_squeeze %dma_start3A_107 : memref<1x133x64xf32, #tpu.memory_space<vmem>> -> memref<133x64xf32, #tpu.memory_space<vmem>>
    %dma_start3A_109 = arith.constant 0 : i32
    %dma_start3A_110 = tpu.memref_slice %arg4[%dma_start3A_109, %add3A_6] : memref<133x16384xf32, #tpu.memory_space<hbm>> -> memref<133x64xf32, #tpu.memory_space<hbm>>
    %dma_start3A_111 = arith.constant 0 : i32
    %dma_start3A_112 = arith.constant 0 : i32
    %dma_start3A_113 = tpu.memref_slice %arg8[%dma_start3A_104, %dma_start3A_111, %dma_start3A_112] : memref<2x133x64xf32, #tpu.memory_space<vmem>> -> memref<1x133x64xf32, #tpu.memory_space<vmem>>
    %dma_start3A_114 = tpu.memref_squeeze %dma_start3A_113 : memref<1x133x64xf32, #tpu.memory_space<vmem>> -> memref<133x64xf32, #tpu.memory_space<vmem>>
    %dma_start3A_115 = arith.constant 0 : i32
    %dma_start3A_116 = tpu.memref_slice %arg4[%dma_start3A_115, %add3A_6] : memref<133x16384xf32, #tpu.memory_space<hbm>> -> memref<133x64xf32, #tpu.memory_space<hbm>>
    tpu.enqueue_dma source(%dma_start3A_116 : memref<133x64xf32, #tpu.memory_space<hbm>>) target(%dma_start3A_114 : memref<133x64xf32, #tpu.memory_space<vmem>>) target_semaphore(%arg10 : memref<!tpu.dma_semaphore, #tpu.memory_space<semaphore_mem>>)
    %scan3A = arith.constant 0 : i32
    %scan3A_117 = arith.constant 0 : i32
    %scan3A_118 = arith.constant 4 : i32
    %scan3A_119 = arith.addi %scan3A_117, %scan3A_118 : i32
    %scan3A_120 = arith.constant 1 : i32
    scf.for %scan3A_124 = %scan3A_117 to %scan3A_119 step %scan3A_120  : i32 {
      %mul3A_125 = arith.constant 2 : i32
      %mul3A_126 = arith.muli %mul3A_125, %scan3A_124 : i32
      %add3A_127 = arith.constant 1 : i32
      %add3A_128 = arith.addi %mul3A_126, %add3A_127 : i32
      %mul3A_129 = arith.constant 64 : i32
      %mul3A_130 = arith.muli %add3A_128, %mul3A_129 : i32
      %add3A_131 = arith.addi %mul3A_2, %mul3A_130 : i32
      %jit3A_132 = arith.constant 128 : i32
      %div3A_133 = arith.divsi %add3A_131, %jit3A_132 : i32
      %sign3A_134 = arith.constant 0 : i32
      %sign3A_135 = arith.cmpi sgt, %add3A_131, %sign3A_134 : i32
      %sign3A_136 = arith.extui %sign3A_135 : i1 to i32
      %sign3A_137 = arith.constant 0 : i32
      %sign3A_138 = arith.cmpi slt, %add3A_131, %sign3A_137 : i32
      %sign3A_139 = arith.extui %sign3A_138 : i1 to i32
      %sign3A_140 = arith.subi %sign3A_136, %sign3A_139 : i32
      %sign3A_141 = arith.constant 0 : i32
      %sign3A_142 = arith.cmpi sgt, %jit3A_132, %sign3A_141 : i32
      %sign3A_143 = arith.extui %sign3A_142 : i1 to i32
      %sign3A_144 = arith.constant 0 : i32
      %sign3A_145 = arith.cmpi slt, %jit3A_132, %sign3A_144 : i32
      %sign3A_146 = arith.extui %sign3A_145 : i1 to i32
      %sign3A_147 = arith.subi %sign3A_143, %sign3A_146 : i32
      %ne3A_148 = arith.cmpi ne, %sign3A_140, %sign3A_147 : i32
      %rem3A_149 = arith.remsi %add3A_131, %jit3A_132 : i32
      %ne3A_150 = arith.constant 0 : i32
      %ne3A_151 = arith.cmpi ne, %rem3A_149, %ne3A_150 : i32
      %and3A_152 = arith.andi %ne3A_148, %ne3A_151 : i1
      %sub3A_153 = arith.constant 1 : i32
      %sub3A_154 = arith.subi %div3A_133, %sub3A_153 : i32
      %select_n3A_155 = arith.select %and3A_152, %sub3A_154, %div3A_133 : i32
      %jit3A_156 = arith.constant 128 : i32
      %eq3A_157 = arith.constant 0 : i32
      %eq3A_158 = arith.cmpi eq, %jit3A_156, %eq3A_157 : i32
      %jit3A_159 = arith.constant 1 : i32
      %select_n3A_160 = arith.select %eq3A_158, %jit3A_159, %jit3A_156 : i32
      %rem3A_161 = arith.remsi %add3A_131, %select_n3A_160 : i32
      %ne3A_162 = arith.constant 0 : i32
      %ne3A_163 = arith.cmpi ne, %rem3A_161, %ne3A_162 : i32
      %lt3A_164 = arith.constant 0 : i32
      %lt3A_165 = arith.cmpi slt, %rem3A_161, %lt3A_164 : i32
      %lt3A_166 = arith.constant 0 : i32
      %lt3A_167 = arith.cmpi slt, %select_n3A_160, %lt3A_166 : i32
      %ne3A_168 = arith.xori %lt3A_165, %lt3A_167 : i1
      %and3A_169 = arith.andi %ne3A_168, %ne3A_163 : i1
      %add3A_170 = arith.addi %rem3A_161, %select_n3A_160 : i32
      %select_n3A_171 = arith.select %and3A_169, %add3A_170, %rem3A_161 : i32
      %dma_start3A_172 = arith.constant 0 : i32
      %dma_start3A_173 = arith.constant 1 : i32
      %dma_start3A_174 = arith.constant 0 : i32
      %dma_start3A_175 = arith.constant 0 : i32
      %dma_start3A_176 = arith.constant 0 : i32
      %dma_start3A_177 = tpu.memref_slice %arg6[%dma_start3A_173, %dma_start3A_174, %dma_start3A_175, %dma_start3A_176] : memref<2x2x133x64xf32, #tpu.memory_space<vmem>> -> memref<1x1x133x64xf32, #tpu.memory_space<vmem>>
      %dma_start3A_178 = tpu.memref_squeeze %dma_start3A_177 : memref<1x1x133x64xf32, #tpu.memory_space<vmem>> -> memref<133x64xf32, #tpu.memory_space<vmem>>
      %dma_start3A_179 = arith.constant 0 : i32
      %dma_start3A_180 = tpu.memref_slice %arg2[%dma_start3A_179, %select_n3A_155, %dma_start3A_172, %select_n3A_171] : memref<133x128x2x128xf32, #tpu.memory_space<hbm>> -> memref<133x1x1x64xf32, #tpu.memory_space<hbm>>
      %dma_start3A_181 = tpu.memref_squeeze %dma_start3A_180 : memref<133x1x1x64xf32, #tpu.memory_space<hbm>> -> memref<133x64xf32, #tpu.memory_space<hbm>>
      %dma_start3A_182 = arith.constant 0 : i32
      %dma_start3A_183 = arith.constant 0 : i32
      %dma_start3A_184 = tpu.memref_slice %arg6[%dma_start3A_173, %dma_start3A_174, %dma_start3A_182, %dma_start3A_183] : memref<2x2x133x64xf32, #tpu.memory_space<vmem>> -> memref<1x1x133x64xf32, #tpu.memory_space<vmem>>
      %dma_start3A_185 = tpu.memref_squeeze %dma_start3A_184 : memref<1x1x133x64xf32, #tpu.memory_space<vmem>> -> memref<133x64xf32, #tpu.memory_space<vmem>>
      %dma_start3A_186 = arith.constant 0 : i32
      %dma_start3A_187 = tpu.memref_slice %arg2[%dma_start3A_186, %select_n3A_155, %dma_start3A_172, %select_n3A_171] : memref<133x128x2x128xf32, #tpu.memory_space<hbm>> -> memref<133x1x1x64xf32, #tpu.memory_space<hbm>>
      %dma_start3A_188 = tpu.memref_squeeze %dma_start3A_187 : memref<133x1x1x64xf32, #tpu.memory_space<hbm>> -> memref<133x64xf32, #tpu.memory_space<hbm>>
      tpu.enqueue_dma source(%dma_start3A_188 : memref<133x64xf32, #tpu.memory_space<hbm>>) target(%dma_start3A_185 : memref<133x64xf32, #tpu.memory_space<vmem>>) target_semaphore(%arg11 : memref<!tpu.dma_semaphore, #tpu.memory_space<semaphore_mem>>)
      %dma_start3A_189 = arith.constant 1 : i32
      %dma_start3A_190 = arith.constant 1 : i32
      %dma_start3A_191 = arith.constant 1 : i32
      %dma_start3A_192 = arith.constant 0 : i32
      %dma_start3A_193 = arith.constant 0 : i32
      %dma_start3A_194 = tpu.memref_slice %arg6[%dma_start3A_190, %dma_start3A_191, %dma_start3A_192, %dma_start3A_193] : memref<2x2x133x64xf32, #tpu.memory_space<vmem>> -> memref<1x1x133x64xf32, #tpu.memory_space<vmem>>
      %dma_start3A_195 = tpu.memref_squeeze %dma_start3A_194 : memref<1x1x133x64xf32, #tpu.memory_space<vmem>> -> memref<133x64xf32, #tpu.memory_space<vmem>>
      %dma_start3A_196 = arith.constant 0 : i32
      %dma_start3A_197 = tpu.memref_slice %arg2[%dma_start3A_196, %select_n3A_155, %dma_start3A_189, %select_n3A_171] : memref<133x128x2x128xf32, #tpu.memory_space<hbm>> -> memref<133x1x1x64xf32, #tpu.memory_space<hbm>>
      %dma_start3A_198 = tpu.memref_squeeze %dma_start3A_197 : memref<133x1x1x64xf32, #tpu.memory_space<hbm>> -> memref<133x64xf32, #tpu.memory_space<hbm>>
      %dma_start3A_199 = arith.constant 0 : i32
      %dma_start3A_200 = arith.constant 0 : i32
      %dma_start3A_201 = tpu.memref_slice %arg6[%dma_start3A_190, %dma_start3A_191, %dma_start3A_199, %dma_start3A_200] : memref<2x2x133x64xf32, #tpu.memory_space<vmem>> -> memref<1x1x133x64xf32, #tpu.memory_space<vmem>>
      %dma_start3A_202 = tpu.memref_squeeze %dma_start3A_201 : memref<1x1x133x64xf32, #tpu.memory_space<vmem>> -> memref<133x64xf32, #tpu.memory_space<vmem>>
      %dma_start3A_203 = arith.constant 0 : i32
      %dma_start3A_204 = tpu.memref_slice %arg2[%dma_start3A_203, %select_n3A_155, %dma_start3A_189, %select_n3A_171] : memref<133x128x2x128xf32, #tpu.memory_space<hbm>> -> memref<133x1x1x64xf32, #tpu.memory_space<hbm>>
      %dma_start3A_205 = tpu.memref_squeeze %dma_start3A_204 : memref<133x1x1x64xf32, #tpu.memory_space<hbm>> -> memref<133x64xf32, #tpu.memory_space<hbm>>
      tpu.enqueue_dma source(%dma_start3A_205 : memref<133x64xf32, #tpu.memory_space<hbm>>) target(%dma_start3A_202 : memref<133x64xf32, #tpu.memory_space<vmem>>) target_semaphore(%arg11 : memref<!tpu.dma_semaphore, #tpu.memory_space<semaphore_mem>>)
      %dma_start3A_206 = arith.constant 0 : i32
      %dma_start3A_207 = arith.constant 1 : i32
      %dma_start3A_208 = arith.constant 0 : i32
      %dma_start3A_209 = arith.constant 0 : i32
      %dma_start3A_210 = arith.constant 0 : i32
      %dma_start3A_211 = tpu.memref_slice %arg7[%dma_start3A_207, %dma_start3A_208, %dma_start3A_209, %dma_start3A_210] : memref<2x2x133x64xf32, #tpu.memory_space<vmem>> -> memref<1x1x133x64xf32, #tpu.memory_space<vmem>>
      %dma_start3A_212 = tpu.memref_squeeze %dma_start3A_211 : memref<1x1x133x64xf32, #tpu.memory_space<vmem>> -> memref<133x64xf32, #tpu.memory_space<vmem>>
      %dma_start3A_213 = arith.constant 0 : i32
      %dma_start3A_214 = tpu.memref_slice %arg3[%dma_start3A_213, %select_n3A_155, %dma_start3A_206, %select_n3A_171] : memref<133x128x2x128xf32, #tpu.memory_space<hbm>> -> memref<133x1x1x64xf32, #tpu.memory_space<hbm>>
      %dma_start3A_215 = tpu.memref_squeeze %dma_start3A_214 : memref<133x1x1x64xf32, #tpu.memory_space<hbm>> -> memref<133x64xf32, #tpu.memory_space<hbm>>
      %dma_start3A_216 = arith.constant 0 : i32
      %dma_start3A_217 = arith.constant 0 : i32
      %dma_start3A_218 = tpu.memref_slice %arg7[%dma_start3A_207, %dma_start3A_208, %dma_start3A_216, %dma_start3A_217] : memref<2x2x133x64xf32, #tpu.memory_space<vmem>> -> memref<1x1x133x64xf32, #tpu.memory_space<vmem>>
      %dma_start3A_219 = tpu.memref_squeeze %dma_start3A_218 : memref<1x1x133x64xf32, #tpu.memory_space<vmem>> -> memref<133x64xf32, #tpu.memory_space<vmem>>
      %dma_start3A_220 = arith.constant 0 : i32
      %dma_start3A_221 = tpu.memref_slice %arg3[%dma_start3A_220, %select_n3A_155, %dma_start3A_206, %select_n3A_171] : memref<133x128x2x128xf32, #tpu.memory_space<hbm>> -> memref<133x1x1x64xf32, #tpu.memory_space<hbm>>
      %dma_start3A_222 = tpu.memref_squeeze %dma_start3A_221 : memref<133x1x1x64xf32, #tpu.memory_space<hbm>> -> memref<133x64xf32, #tpu.memory_space<hbm>>
      tpu.enqueue_dma source(%dma_start3A_222 : memref<133x64xf32, #tpu.memory_space<hbm>>) target(%dma_start3A_219 : memref<133x64xf32, #tpu.memory_space<vmem>>) target_semaphore(%arg11 : memref<!tpu.dma_semaphore, #tpu.memory_space<semaphore_mem>>)
      %dma_start3A_223 = arith.constant 1 : i32
      %dma_start3A_224 = arith.constant 1 : i32
      %dma_start3A_225 = arith.constant 1 : i32
      %dma_start3A_226 = arith.constant 0 : i32
      %dma_start3A_227 = arith.constant 0 : i32
      %dma_start3A_228 = tpu.memref_slice %arg7[%dma_start3A_224, %dma_start3A_225, %dma_start3A_226, %dma_start3A_227] : memref<2x2x133x64xf32, #tpu.memory_space<vmem>> -> memref<1x1x133x64xf32, #tpu.memory_space<vmem>>
      %dma_start3A_229 = tpu.memref_squeeze %dma_start3A_228 : memref<1x1x133x64xf32, #tpu.memory_space<vmem>> -> memref<133x64xf32, #tpu.memory_space<vmem>>
      %dma_start3A_230 = arith.constant 0 : i32
      %dma_start3A_231 = tpu.memref_slice %arg3[%dma_start3A_230, %select_n3A_155, %dma_start3A_223, %select_n3A_171] : memref<133x128x2x128xf32, #tpu.memory_space<hbm>> -> memref<133x1x1x64xf32, #tpu.memory_space<hbm>>
      %dma_start3A_232 = tpu.memref_squeeze %dma_start3A_231 : memref<133x1x1x64xf32, #tpu.memory_space<hbm>> -> memref<133x64xf32, #tpu.memory_space<hbm>>
      %dma_start3A_233 = arith.constant 0 : i32
      %dma_start3A_234 = arith.constant 0 : i32
      %dma_start3A_235 = tpu.memref_slice %arg7[%dma_start3A_224, %dma_start3A_225, %dma_start3A_233, %dma_start3A_234] : memref<2x2x133x64xf32, #tpu.memory_space<vmem>> -> memref<1x1x133x64xf32, #tpu.memory_space<vmem>>
      %dma_start3A_236 = tpu.memref_squeeze %dma_start3A_235 : memref<1x1x133x64xf32, #tpu.memory_space<vmem>> -> memref<133x64xf32, #tpu.memory_space<vmem>>
      %dma_start3A_237 = arith.constant 0 : i32
      %dma_start3A_238 = tpu.memref_slice %arg3[%dma_start3A_237, %select_n3A_155, %dma_start3A_223, %select_n3A_171] : memref<133x128x2x128xf32, #tpu.memory_space<hbm>> -> memref<133x1x1x64xf32, #tpu.memory_space<hbm>>
      %dma_start3A_239 = tpu.memref_squeeze %dma_start3A_238 : memref<133x1x1x64xf32, #tpu.memory_space<hbm>> -> memref<133x64xf32, #tpu.memory_space<hbm>>
      tpu.enqueue_dma source(%dma_start3A_239 : memref<133x64xf32, #tpu.memory_space<hbm>>) target(%dma_start3A_236 : memref<133x64xf32, #tpu.memory_space<vmem>>) target_semaphore(%arg11 : memref<!tpu.dma_semaphore, #tpu.memory_space<semaphore_mem>>)
      %dma_start3A_240 = arith.constant 1 : i32
      %dma_start3A_241 = arith.constant 0 : i32
      %dma_start3A_242 = arith.constant 0 : i32
      %dma_start3A_243 = tpu.memref_slice %arg8[%dma_start3A_240, %dma_start3A_241, %dma_start3A_242] : memref<2x133x64xf32, #tpu.memory_space<vmem>> -> memref<1x133x64xf32, #tpu.memory_space<vmem>>
      %dma_start3A_244 = tpu.memref_squeeze %dma_start3A_243 : memref<1x133x64xf32, #tpu.memory_space<vmem>> -> memref<133x64xf32, #tpu.memory_space<vmem>>
      %dma_start3A_245 = arith.constant 0 : i32
      %dma_start3A_246 = tpu.memref_slice %arg4[%dma_start3A_245, %add3A_131] : memref<133x16384xf32, #tpu.memory_space<hbm>> -> memref<133x64xf32, #tpu.memory_space<hbm>>
      %dma_start3A_247 = arith.constant 0 : i32
      %dma_start3A_248 = arith.constant 0 : i32
      %dma_start3A_249 = tpu.memref_slice %arg8[%dma_start3A_240, %dma_start3A_247, %dma_start3A_248] : memref<2x133x64xf32, #tpu.memory_space<vmem>> -> memref<1x133x64xf32, #tpu.memory_space<vmem>>
      %dma_start3A_250 = tpu.memref_squeeze %dma_start3A_249 : memref<1x133x64xf32, #tpu.memory_space<vmem>> -> memref<133x64xf32, #tpu.memory_space<vmem>>
      %dma_start3A_251 = arith.constant 0 : i32
      %dma_start3A_252 = tpu.memref_slice %arg4[%dma_start3A_251, %add3A_131] : memref<133x16384xf32, #tpu.memory_space<hbm>> -> memref<133x64xf32, #tpu.memory_space<hbm>>
      tpu.enqueue_dma source(%dma_start3A_252 : memref<133x64xf32, #tpu.memory_space<hbm>>) target(%dma_start3A_250 : memref<133x64xf32, #tpu.memory_space<vmem>>) target_semaphore(%arg11 : memref<!tpu.dma_semaphore, #tpu.memory_space<semaphore_mem>>)
      %mul3A_253 = arith.constant 64 : i32
      %mul3A_254 = arith.muli %mul3A_126, %mul3A_253 : i32
      %add3A_255 = arith.addi %mul3A_2, %mul3A_254 : i32
      %jit3A_256 = arith.constant 128 : i32
      %div3A_257 = arith.divsi %add3A_255, %jit3A_256 : i32
      %sign3A_258 = arith.constant 0 : i32
      %sign3A_259 = arith.cmpi sgt, %add3A_255, %sign3A_258 : i32
      %sign3A_260 = arith.extui %sign3A_259 : i1 to i32
      %sign3A_261 = arith.constant 0 : i32
      %sign3A_262 = arith.cmpi slt, %add3A_255, %sign3A_261 : i32
      %sign3A_263 = arith.extui %sign3A_262 : i1 to i32
      %sign3A_264 = arith.subi %sign3A_260, %sign3A_263 : i32
      %sign3A_265 = arith.constant 0 : i32
      %sign3A_266 = arith.cmpi sgt, %jit3A_256, %sign3A_265 : i32
      %sign3A_267 = arith.extui %sign3A_266 : i1 to i32
      %sign3A_268 = arith.constant 0 : i32
      %sign3A_269 = arith.cmpi slt, %jit3A_256, %sign3A_268 : i32
      %sign3A_270 = arith.extui %sign3A_269 : i1 to i32
      %sign3A_271 = arith.subi %sign3A_267, %sign3A_270 : i32
      %ne3A_272 = arith.cmpi ne, %sign3A_264, %sign3A_271 : i32
      %rem3A_273 = arith.remsi %add3A_255, %jit3A_256 : i32
      %ne3A_274 = arith.constant 0 : i32
      %ne3A_275 = arith.cmpi ne, %rem3A_273, %ne3A_274 : i32
      %and3A_276 = arith.andi %ne3A_272, %ne3A_275 : i1
      %sub3A_277 = arith.constant 1 : i32
      %sub3A_278 = arith.subi %div3A_257, %sub3A_277 : i32
      %select_n3A_279 = arith.select %and3A_276, %sub3A_278, %div3A_257 : i32
      %jit3A_280 = arith.constant 128 : i32
      %eq3A_281 = arith.constant 0 : i32
      %eq3A_282 = arith.cmpi eq, %jit3A_280, %eq3A_281 : i32
      %jit3A_283 = arith.constant 1 : i32
      %select_n3A_284 = arith.select %eq3A_282, %jit3A_283, %jit3A_280 : i32
      %rem3A_285 = arith.remsi %add3A_255, %select_n3A_284 : i32
      %ne3A_286 = arith.constant 0 : i32
      %ne3A_287 = arith.cmpi ne, %rem3A_285, %ne3A_286 : i32
      %lt3A_288 = arith.constant 0 : i32
      %lt3A_289 = arith.cmpi slt, %rem3A_285, %lt3A_288 : i32
      %lt3A_290 = arith.constant 0 : i32
      %lt3A_291 = arith.cmpi slt, %select_n3A_284, %lt3A_290 : i32
      %ne3A_292 = arith.xori %lt3A_289, %lt3A_291 : i1
      %and3A_293 = arith.andi %ne3A_292, %ne3A_287 : i1
      %add3A_294 = arith.addi %rem3A_285, %select_n3A_284 : i32
      %select_n3A_295 = arith.select %and3A_293, %add3A_294, %rem3A_285 : i32
      %dma_wait3A = arith.constant 0 : i32
      %dma_wait3A_296 = arith.constant 0 : i32
      %dma_wait3A_297 = arith.constant 0 : i32
      %dma_wait3A_298 = arith.constant 0 : i32
      %dma_wait3A_299 = arith.constant 0 : i32
      %dma_wait3A_300 = tpu.memref_slice %arg6[%dma_wait3A_296, %dma_wait3A_297, %dma_wait3A_298, %dma_wait3A_299] : memref<2x2x133x64xf32, #tpu.memory_space<vmem>> -> memref<1x1x133x64xf32, #tpu.memory_space<vmem>>
      %dma_wait3A_301 = tpu.memref_squeeze %dma_wait3A_300 : memref<1x1x133x64xf32, #tpu.memory_space<vmem>> -> memref<133x64xf32, #tpu.memory_space<vmem>>
      %dma_wait3A_302 = arith.constant 0 : i32
      %dma_wait3A_303 = tpu.memref_slice %arg2[%dma_wait3A_302, %select_n3A_279, %dma_wait3A, %select_n3A_295] : memref<133x128x2x128xf32, #tpu.memory_space<hbm>> -> memref<133x1x1x64xf32, #tpu.memory_space<hbm>>
      %dma_wait3A_304 = tpu.memref_squeeze %dma_wait3A_303 : memref<133x1x1x64xf32, #tpu.memory_space<hbm>> -> memref<133x64xf32, #tpu.memory_space<hbm>>
      %dma_wait3A_305 = arith.constant 0 : i32
      %dma_wait3A_306 = arith.constant 0 : i32
      %dma_wait3A_307 = tpu.memref_slice %arg6[%dma_wait3A_296, %dma_wait3A_297, %dma_wait3A_305, %dma_wait3A_306] : memref<2x2x133x64xf32, #tpu.memory_space<vmem>> -> memref<1x1x133x64xf32, #tpu.memory_space<vmem>>
      %dma_wait3A_308 = tpu.memref_squeeze %dma_wait3A_307 : memref<1x1x133x64xf32, #tpu.memory_space<vmem>> -> memref<133x64xf32, #tpu.memory_space<vmem>>
      %dma_wait3A_309 = arith.constant 0 : i32
      %dma_wait3A_310 = tpu.memref_slice %arg2[%dma_wait3A_309, %select_n3A_279, %dma_wait3A, %select_n3A_295] : memref<133x128x2x128xf32, #tpu.memory_space<hbm>> -> memref<133x1x1x64xf32, #tpu.memory_space<hbm>>
      %dma_wait3A_311 = tpu.memref_squeeze %dma_wait3A_310 : memref<133x1x1x64xf32, #tpu.memory_space<hbm>> -> memref<133x64xf32, #tpu.memory_space<hbm>>
      tpu.wait_dma2 semaphore(%arg10 : memref<!tpu.dma_semaphore, #tpu.memory_space<semaphore_mem>>) src(%dma_wait3A_311 : memref<133x64xf32, #tpu.memory_space<hbm>>) dst(%dma_wait3A_308 : memref<133x64xf32, #tpu.memory_space<vmem>>)
      %dma_wait3A_312 = arith.constant 1 : i32
      %dma_wait3A_313 = arith.constant 0 : i32
      %dma_wait3A_314 = arith.constant 1 : i32
      %dma_wait3A_315 = arith.constant 0 : i32
      %dma_wait3A_316 = arith.constant 0 : i32
      %dma_wait3A_317 = tpu.memref_slice %arg6[%dma_wait3A_313, %dma_wait3A_314, %dma_wait3A_315, %dma_wait3A_316] : memref<2x2x133x64xf32, #tpu.memory_space<vmem>> -> memref<1x1x133x64xf32, #tpu.memory_space<vmem>>
      %dma_wait3A_318 = tpu.memref_squeeze %dma_wait3A_317 : memref<1x1x133x64xf32, #tpu.memory_space<vmem>> -> memref<133x64xf32, #tpu.memory_space<vmem>>
      %dma_wait3A_319 = arith.constant 0 : i32
      %dma_wait3A_320 = tpu.memref_slice %arg2[%dma_wait3A_319, %select_n3A_279, %dma_wait3A_312, %select_n3A_295] : memref<133x128x2x128xf32, #tpu.memory_space<hbm>> -> memref<133x1x1x64xf32, #tpu.memory_space<hbm>>
      %dma_wait3A_321 = tpu.memref_squeeze %dma_wait3A_320 : memref<133x1x1x64xf32, #tpu.memory_space<hbm>> -> memref<133x64xf32, #tpu.memory_space<hbm>>
      %dma_wait3A_322 = arith.constant 0 : i32
      %dma_wait3A_323 = arith.constant 0 : i32
      %dma_wait3A_324 = tpu.memref_slice %arg6[%dma_wait3A_313, %dma_wait3A_314, %dma_wait3A_322, %dma_wait3A_323] : memref<2x2x133x64xf32, #tpu.memory_space<vmem>> -> memref<1x1x133x64xf32, #tpu.memory_space<vmem>>
      %dma_wait3A_325 = tpu.memref_squeeze %dma_wait3A_324 : memref<1x1x133x64xf32, #tpu.memory_space<vmem>> -> memref<133x64xf32, #tpu.memory_space<vmem>>
      %dma_wait3A_326 = arith.constant 0 : i32
      %dma_wait3A_327 = tpu.memref_slice %arg2[%dma_wait3A_326, %select_n3A_279, %dma_wait3A_312, %select_n3A_295] : memref<133x128x2x128xf32, #tpu.memory_space<hbm>> -> memref<133x1x1x64xf32, #tpu.memory_space<hbm>>
      %dma_wait3A_328 = tpu.memref_squeeze %dma_wait3A_327 : memref<133x1x1x64xf32, #tpu.memory_space<hbm>> -> memref<133x64xf32, #tpu.memory_space<hbm>>
      tpu.wait_dma2 semaphore(%arg10 : memref<!tpu.dma_semaphore, #tpu.memory_space<semaphore_mem>>) src(%dma_wait3A_328 : memref<133x64xf32, #tpu.memory_space<hbm>>) dst(%dma_wait3A_325 : memref<133x64xf32, #tpu.memory_space<vmem>>)
      %dma_wait3A_329 = arith.constant 0 : i32
      %dma_wait3A_330 = arith.constant 0 : i32
      %dma_wait3A_331 = arith.constant 0 : i32
      %dma_wait3A_332 = arith.constant 0 : i32
      %dma_wait3A_333 = arith.constant 0 : i32
      %dma_wait3A_334 = tpu.memref_slice %arg7[%dma_wait3A_330, %dma_wait3A_331, %dma_wait3A_332, %dma_wait3A_333] : memref<2x2x133x64xf32, #tpu.memory_space<vmem>> -> memref<1x1x133x64xf32, #tpu.memory_space<vmem>>
      %dma_wait3A_335 = tpu.memref_squeeze %dma_wait3A_334 : memref<1x1x133x64xf32, #tpu.memory_space<vmem>> -> memref<133x64xf32, #tpu.memory_space<vmem>>
      %dma_wait3A_336 = arith.constant 0 : i32
      %dma_wait3A_337 = tpu.memref_slice %arg3[%dma_wait3A_336, %select_n3A_279, %dma_wait3A_329, %select_n3A_295] : memref<133x128x2x128xf32, #tpu.memory_space<hbm>> -> memref<133x1x1x64xf32, #tpu.memory_space<hbm>>
      %dma_wait3A_338 = tpu.memref_squeeze %dma_wait3A_337 : memref<133x1x1x64xf32, #tpu.memory_space<hbm>> -> memref<133x64xf32, #tpu.memory_space<hbm>>
      %dma_wait3A_339 = arith.constant 0 : i32
      %dma_wait3A_340 = arith.constant 0 : i32
      %dma_wait3A_341 = tpu.memref_slice %arg7[%dma_wait3A_330, %dma_wait3A_331, %dma_wait3A_339, %dma_wait3A_340] : memref<2x2x133x64xf32, #tpu.memory_space<vmem>> -> memref<1x1x133x64xf32, #tpu.memory_space<vmem>>
      %dma_wait3A_342 = tpu.memref_squeeze %dma_wait3A_341 : memref<1x1x133x64xf32, #tpu.memory_space<vmem>> -> memref<133x64xf32, #tpu.memory_space<vmem>>
      %dma_wait3A_343 = arith.constant 0 : i32
      %dma_wait3A_344 = tpu.memref_slice %arg3[%dma_wait3A_343, %select_n3A_279, %dma_wait3A_329, %select_n3A_295] : memref<133x128x2x128xf32, #tpu.memory_space<hbm>> -> memref<133x1x1x64xf32, #tpu.memory_space<hbm>>
      %dma_wait3A_345 = tpu.memref_squeeze %dma_wait3A_344 : memref<133x1x1x64xf32, #tpu.memory_space<hbm>> -> memref<133x64xf32, #tpu.memory_space<hbm>>
      tpu.wait_dma2 semaphore(%arg10 : memref<!tpu.dma_semaphore, #tpu.memory_space<semaphore_mem>>) src(%dma_wait3A_345 : memref<133x64xf32, #tpu.memory_space<hbm>>) dst(%dma_wait3A_342 : memref<133x64xf32, #tpu.memory_space<vmem>>)
      %dma_wait3A_346 = arith.constant 1 : i32
      %dma_wait3A_347 = arith.constant 0 : i32
      %dma_wait3A_348 = arith.constant 1 : i32
      %dma_wait3A_349 = arith.constant 0 : i32
      %dma_wait3A_350 = arith.constant 0 : i32
      %dma_wait3A_351 = tpu.memref_slice %arg7[%dma_wait3A_347, %dma_wait3A_348, %dma_wait3A_349, %dma_wait3A_350] : memref<2x2x133x64xf32, #tpu.memory_space<vmem>> -> memref<1x1x133x64xf32, #tpu.memory_space<vmem>>
      %dma_wait3A_352 = tpu.memref_squeeze %dma_wait3A_351 : memref<1x1x133x64xf32, #tpu.memory_space<vmem>> -> memref<133x64xf32, #tpu.memory_space<vmem>>
      %dma_wait3A_353 = arith.constant 0 : i32
      %dma_wait3A_354 = tpu.memref_slice %arg3[%dma_wait3A_353, %select_n3A_279, %dma_wait3A_346, %select_n3A_295] : memref<133x128x2x128xf32, #tpu.memory_space<hbm>> -> memref<133x1x1x64xf32, #tpu.memory_space<hbm>>
      %dma_wait3A_355 = tpu.memref_squeeze %dma_wait3A_354 : memref<133x1x1x64xf32, #tpu.memory_space<hbm>> -> memref<133x64xf32, #tpu.memory_space<hbm>>
      %dma_wait3A_356 = arith.constant 0 : i32
      %dma_wait3A_357 = arith.constant 0 : i32
      %dma_wait3A_358 = tpu.memref_slice %arg7[%dma_wait3A_347, %dma_wait3A_348, %dma_wait3A_356, %dma_wait3A_357] : memref<2x2x133x64xf32, #tpu.memory_space<vmem>> -> memref<1x1x133x64xf32, #tpu.memory_space<vmem>>
      %dma_wait3A_359 = tpu.memref_squeeze %dma_wait3A_358 : memref<1x1x133x64xf32, #tpu.memory_space<vmem>> -> memref<133x64xf32, #tpu.memory_space<vmem>>
      %dma_wait3A_360 = arith.constant 0 : i32
      %dma_wait3A_361 = tpu.memref_slice %arg3[%dma_wait3A_360, %select_n3A_279, %dma_wait3A_346, %select_n3A_295] : memref<133x128x2x128xf32, #tpu.memory_space<hbm>> -> memref<133x1x1x64xf32, #tpu.memory_space<hbm>>
      %dma_wait3A_362 = tpu.memref_squeeze %dma_wait3A_361 : memref<133x1x1x64xf32, #tpu.memory_space<hbm>> -> memref<133x64xf32, #tpu.memory_space<hbm>>
      tpu.wait_dma2 semaphore(%arg10 : memref<!tpu.dma_semaphore, #tpu.memory_space<semaphore_mem>>) src(%dma_wait3A_362 : memref<133x64xf32, #tpu.memory_space<hbm>>) dst(%dma_wait3A_359 : memref<133x64xf32, #tpu.memory_space<vmem>>)
      %dma_wait3A_363 = arith.constant 0 : i32
      %dma_wait3A_364 = arith.constant 0 : i32
      %dma_wait3A_365 = arith.constant 0 : i32
      %dma_wait3A_366 = tpu.memref_slice %arg8[%dma_wait3A_363, %dma_wait3A_364, %dma_wait3A_365] : memref<2x133x64xf32, #tpu.memory_space<vmem>> -> memref<1x133x64xf32, #tpu.memory_space<vmem>>
      %dma_wait3A_367 = tpu.memref_squeeze %dma_wait3A_366 : memref<1x133x64xf32, #tpu.memory_space<vmem>> -> memref<133x64xf32, #tpu.memory_space<vmem>>
      %dma_wait3A_368 = arith.constant 0 : i32
      %dma_wait3A_369 = tpu.memref_slice %arg4[%dma_wait3A_368, %add3A_255] : memref<133x16384xf32, #tpu.memory_space<hbm>> -> memref<133x64xf32, #tpu.memory_space<hbm>>
      %dma_wait3A_370 = arith.constant 0 : i32
      %dma_wait3A_371 = arith.constant 0 : i32
      %dma_wait3A_372 = tpu.memref_slice %arg8[%dma_wait3A_363, %dma_wait3A_370, %dma_wait3A_371] : memref<2x133x64xf32, #tpu.memory_space<vmem>> -> memref<1x133x64xf32, #tpu.memory_space<vmem>>
      %dma_wait3A_373 = tpu.memref_squeeze %dma_wait3A_372 : memref<1x133x64xf32, #tpu.memory_space<vmem>> -> memref<133x64xf32, #tpu.memory_space<vmem>>
      %dma_wait3A_374 = arith.constant 0 : i32
      %dma_wait3A_375 = tpu.memref_slice %arg4[%dma_wait3A_374, %add3A_255] : memref<133x16384xf32, #tpu.memory_space<hbm>> -> memref<133x64xf32, #tpu.memory_space<hbm>>
      tpu.wait_dma2 semaphore(%arg10 : memref<!tpu.dma_semaphore, #tpu.memory_space<semaphore_mem>>) src(%dma_wait3A_375 : memref<133x64xf32, #tpu.memory_space<hbm>>) dst(%dma_wait3A_373 : memref<133x64xf32, #tpu.memory_space<vmem>>)
      %broadcast_in_dim3A_376 = arith.constant -3.40282347E+38 : f32
      %broadcast_in_dim3A_377 = vector.broadcast %broadcast_in_dim3A_376 : f32 to vector<16xf32>
      %scan3A_378 = arith.constant 0 : i32
      %scan3A_379 = arith.constant 133 : i32
      %scan3A_380 = arith.addi %scan3A_378, %scan3A_379 : i32
      %scan3A_381 = arith.constant 1 : i32
      %scan3A_382:20 = scf.for %scan3A_568 = %scan3A_378 to %scan3A_380 step %scan3A_381 iter_args(%scan3A_569 = %broadcast_in_dim3A_377, %scan3A_570 = %broadcast_in_dim3A_377, %scan3A_571 = %broadcast_in_dim3A_377, %scan3A_572 = %broadcast_in_dim3A_377, %scan3A_573 = %broadcast_in_dim3A_377, %scan3A_574 = %broadcast_in_dim3A_377, %scan3A_575 = %broadcast_in_dim3A_377, %scan3A_576 = %broadcast_in_dim3A_377, %scan3A_577 = %broadcast_in_dim3A_377, %scan3A_578 = %broadcast_in_dim3A_377, %scan3A_579 = %broadcast_in_dim3A_377, %scan3A_580 = %broadcast_in_dim3A_377, %scan3A_581 = %broadcast_in_dim3A_377, %scan3A_582 = %broadcast_in_dim3A_377, %scan3A_583 = %broadcast_in_dim3A_377, %scan3A_584 = %broadcast_in_dim3A_377, %scan3A_585 = %broadcast_in_dim3A_377, %scan3A_586 = %broadcast_in_dim3A_377, %scan3A_587 = %broadcast_in_dim3A_377, %scan3A_588 = %broadcast_in_dim3A_377) -> (vector<16xf32>, vector<16xf32>, vector<16xf32>, vector<16xf32>, vector<16xf32>, vector<16xf32>, vector<16xf32>, vector<16xf32>, vector<16xf32>, vector<16xf32>, vector<16xf32>, vector<16xf32>, vector<16xf32>, vector<16xf32>, vector<16xf32>, vector<16xf32>, vector<16xf32>, vector<16xf32>, vector<16xf32>, vector<16xf32>)  : i32 {
        %get3A_589 = arith.constant 0 : i32
        %get3A_590 = arith.constant 0 : i32
        %get3A_591 = arith.index_cast %get3A_589 : i32 to index
        %get3A_592 = arith.index_cast %get3A_590 : i32 to index
        %get3A_593 = arith.index_cast %scan3A_568 : i32 to index
        %get3A_594 = arith.constant 0 : index
        %get3A_595 = tpu.vector_load %arg6[%get3A_591, %get3A_592, %get3A_593, %get3A_594] {strides = array<i32>} : memref<2x2x133x64xf32, #tpu.memory_space<vmem>>, vector<16xf32>,
        %get3A_596 = arith.constant 0 : i32
        %get3A_597 = arith.constant 1 : i32
        %get3A_598 = arith.index_cast %get3A_596 : i32 to index
        %get3A_599 = arith.index_cast %get3A_597 : i32 to index
        %get3A_600 = arith.index_cast %scan3A_568 : i32 to index
        %get3A_601 = arith.constant 0 : index
        %get3A_602 = tpu.vector_load %arg6[%get3A_598, %get3A_599, %get3A_600, %get3A_601] {strides = array<i32>} : memref<2x2x133x64xf32, #tpu.memory_space<vmem>>, vector<16xf32>,
        %get3A_603 = arith.constant 0 : i32
        %get3A_604 = arith.constant 0 : i32
        %get3A_605 = arith.index_cast %get3A_603 : i32 to index
        %get3A_606 = arith.index_cast %get3A_604 : i32 to index
        %get3A_607 = arith.index_cast %scan3A_568 : i32 to index
        %get3A_608 = arith.constant 0 : index
        %get3A_609 = tpu.vector_load %arg7[%get3A_605, %get3A_606, %get3A_607, %get3A_608] {strides = array<i32>} : memref<2x2x133x64xf32, #tpu.memory_space<vmem>>, vector<16xf32>,
        %get3A_610 = arith.constant 0 : i32
        %get3A_611 = arith.constant 1 : i32
        %get3A_612 = arith.index_cast %get3A_610 : i32 to index
        %get3A_613 = arith.index_cast %get3A_611 : i32 to index
        %get3A_614 = arith.index_cast %scan3A_568 : i32 to index
        %get3A_615 = arith.constant 0 : index
        %get3A_616 = tpu.vector_load %arg7[%get3A_612, %get3A_613, %get3A_614, %get3A_615] {strides = array<i32>} : memref<2x2x133x64xf32, #tpu.memory_space<vmem>>, vector<16xf32>,
        %get3A_617 = arith.constant 0 : i32
        %get3A_618 = arith.index_cast %get3A_617 : i32 to index
        %get3A_619 = arith.index_cast %scan3A_568 : i32 to index
        %get3A_620 = arith.constant 0 : index
        %get3A_621 = tpu.vector_load %arg8[%get3A_618, %get3A_619, %get3A_620] {strides = array<i32>} : memref<2x133x64xf32, #tpu.memory_space<vmem>>, vector<16xf32>,
        %sub3A_622 = arith.subf %get3A_595, %get3A_609 : vector<16xf32>
        %sub3A_623 = arith.subf %get3A_602, %get3A_616 : vector<16xf32>
        %mul3A_624 = arith.mulf %sub3A_622, %sub3A_622 : vector<16xf32>
        %mul3A_625 = arith.mulf %sub3A_623, %sub3A_623 : vector<16xf32>
        %add3A_626 = arith.addf %mul3A_624, %mul3A_625 : vector<16xf32>
        %mul3A_627 = arith.mulf %add3A_626, %get3A_621 : vector<16xf32>
        %max3A = arith.maximumf %scan3A_569, %mul3A_627 : vector<16xf32>
        %min3A = arith.minimumf %scan3A_569, %mul3A_627 : vector<16xf32>
        %max3A_628 = arith.maximumf %scan3A_570, %min3A : vector<16xf32>
        %min3A_629 = arith.minimumf %scan3A_570, %min3A : vector<16xf32>
        %max3A_630 = arith.maximumf %scan3A_571, %min3A_629 : vector<16xf32>
        %min3A_631 = arith.minimumf %scan3A_571, %min3A_629 : vector<16xf32>
        %max3A_632 = arith.maximumf %scan3A_572, %min3A_631 : vector<16xf32>
        %min3A_633 = arith.minimumf %scan3A_572, %min3A_631 : vector<16xf32>
        %max3A_634 = arith.maximumf %scan3A_573, %min3A_633 : vector<16xf32>
        %get3A_635 = arith.constant 0 : i32
        %get3A_636 = arith.constant 0 : i32
        %get3A_637 = arith.index_cast %get3A_635 : i32 to index
        %get3A_638 = arith.index_cast %get3A_636 : i32 to index
        %get3A_639 = arith.index_cast %scan3A_568 : i32 to index
        %get3A_640 = arith.constant 16 : index
        %get3A_641 = tpu.vector_load %arg6[%get3A_637, %get3A_638, %get3A_639, %get3A_640] {strides = array<i32>} : memref<2x2x133x64xf32, #tpu.memory_space<vmem>>, vector<16xf32>,
        %get3A_642 = arith.constant 0 : i32
        %get3A_643 = arith.constant 1 : i32
        %get3A_644 = arith.index_cast %get3A_642 : i32 to index
        %get3A_645 = arith.index_cast %get3A_643 : i32 to index
        %get3A_646 = arith.index_cast %scan3A_568 : i32 to index
        %get3A_647 = arith.constant 16 : index
        %get3A_648 = tpu.vector_load %arg6[%get3A_644, %get3A_645, %get3A_646, %get3A_647] {strides = array<i32>} : memref<2x2x133x64xf32, #tpu.memory_space<vmem>>, vector<16xf32>,
        %get3A_649 = arith.constant 0 : i32
        %get3A_650 = arith.constant 0 : i32
        %get3A_651 = arith.index_cast %get3A_649 : i32 to index
        %get3A_652 = arith.index_cast %get3A_650 : i32 to index
        %get3A_653 = arith.index_cast %scan3A_568 : i32 to index
        %get3A_654 = arith.constant 16 : index
        %get3A_655 = tpu.vector_load %arg7[%get3A_651, %get3A_652, %get3A_653, %get3A_654] {strides = array<i32>} : memref<2x2x133x64xf32, #tpu.memory_space<vmem>>, vector<16xf32>,
        %get3A_656 = arith.constant 0 : i32
        %get3A_657 = arith.constant 1 : i32
        %get3A_658 = arith.index_cast %get3A_656 : i32 to index
        %get3A_659 = arith.index_cast %get3A_657 : i32 to index
        %get3A_660 = arith.index_cast %scan3A_568 : i32 to index
        %get3A_661 = arith.constant 16 : index
        %get3A_662 = tpu.vector_load %arg7[%get3A_658, %get3A_659, %get3A_660, %get3A_661] {strides = array<i32>} : memref<2x2x133x64xf32, #tpu.memory_space<vmem>>, vector<16xf32>,
        %get3A_663 = arith.constant 0 : i32
        %get3A_664 = arith.index_cast %get3A_663 : i32 to index
        %get3A_665 = arith.index_cast %scan3A_568 : i32 to index
        %get3A_666 = arith.constant 16 : index
        %get3A_667 = tpu.vector_load %arg8[%get3A_664, %get3A_665, %get3A_666] {strides = array<i32>} : memref<2x133x64xf32, #tpu.memory_space<vmem>>, vector<16xf32>,
        %sub3A_668 = arith.subf %get3A_641, %get3A_655 : vector<16xf32>
        %sub3A_669 = arith.subf %get3A_648, %get3A_662 : vector<16xf32>
        %mul3A_670 = arith.mulf %sub3A_668, %sub3A_668 : vector<16xf32>
        %mul3A_671 = arith.mulf %sub3A_669, %sub3A_669 : vector<16xf32>
        %add3A_672 = arith.addf %mul3A_670, %mul3A_671 : vector<16xf32>
        %mul3A_673 = arith.mulf %add3A_672, %get3A_667 : vector<16xf32>
        %max3A_674 = arith.maximumf %scan3A_574, %mul3A_673 : vector<16xf32>
        %min3A_675 = arith.minimumf %scan3A_574, %mul3A_673 : vector<16xf32>
        %max3A_676 = arith.maximumf %scan3A_575, %min3A_675 : vector<16xf32>
        %min3A_677 = arith.minimumf %scan3A_575, %min3A_675 : vector<16xf32>
        %max3A_678 = arith.maximumf %scan3A_576, %min3A_677 : vector<16xf32>
        %min3A_679 = arith.minimumf %scan3A_576, %min3A_677 : vector<16xf32>
        %max3A_680 = arith.maximumf %scan3A_577, %min3A_679 : vector<16xf32>
        %min3A_681 = arith.minimumf %scan3A_577, %min3A_679 : vector<16xf32>
        %max3A_682 = arith.maximumf %scan3A_578, %min3A_681 : vector<16xf32>
        %get3A_683 = arith.constant 0 : i32
        %get3A_684 = arith.constant 0 : i32
        %get3A_685 = arith.index_cast %get3A_683 : i32 to index
        %get3A_686 = arith.index_cast %get3A_684 : i32 to index
        %get3A_687 = arith.index_cast %scan3A_568 : i32 to index
        %get3A_688 = arith.constant 32 : index
        %get3A_689 = tpu.vector_load %arg6[%get3A_685, %get3A_686, %get3A_687, %get3A_688] {strides = array<i32>} : memref<2x2x133x64xf32, #tpu.memory_space<vmem>>, vector<16xf32>,
        %get3A_690 = arith.constant 0 : i32
        %get3A_691 = arith.constant 1 : i32
        %get3A_692 = arith.index_cast %get3A_690 : i32 to index
        %get3A_693 = arith.index_cast %get3A_691 : i32 to index
        %get3A_694 = arith.index_cast %scan3A_568 : i32 to index
        %get3A_695 = arith.constant 32 : index
        %get3A_696 = tpu.vector_load %arg6[%get3A_692, %get3A_693, %get3A_694, %get3A_695] {strides = array<i32>} : memref<2x2x133x64xf32, #tpu.memory_space<vmem>>, vector<16xf32>,
        %get3A_697 = arith.constant 0 : i32
        %get3A_698 = arith.constant 0 : i32
        %get3A_699 = arith.index_cast %get3A_697 : i32 to index
        %get3A_700 = arith.index_cast %get3A_698 : i32 to index
        %get3A_701 = arith.index_cast %scan3A_568 : i32 to index
        %get3A_702 = arith.constant 32 : index
        %get3A_703 = tpu.vector_load %arg7[%get3A_699, %get3A_700, %get3A_701, %get3A_702] {strides = array<i32>} : memref<2x2x133x64xf32, #tpu.memory_space<vmem>>, vector<16xf32>,
        %get3A_704 = arith.constant 0 : i32
        %get3A_705 = arith.constant 1 : i32
        %get3A_706 = arith.index_cast %get3A_704 : i32 to index
        %get3A_707 = arith.index_cast %get3A_705 : i32 to index
        %get3A_708 = arith.index_cast %scan3A_568 : i32 to index
        %get3A_709 = arith.constant 32 : index
        %get3A_710 = tpu.vector_load %arg7[%get3A_706, %get3A_707, %get3A_708, %get3A_709] {strides = array<i32>} : memref<2x2x133x64xf32, #tpu.memory_space<vmem>>, vector<16xf32>,
        %get3A_711 = arith.constant 0 : i32
        %get3A_712 = arith.index_cast %get3A_711 : i32 to index
        %get3A_713 = arith.index_cast %scan3A_568 : i32 to index
        %get3A_714 = arith.constant 32 : index
        %get3A_715 = tpu.vector_load %arg8[%get3A_712, %get3A_713, %get3A_714] {strides = array<i32>} : memref<2x133x64xf32, #tpu.memory_space<vmem>>, vector<16xf32>,
        %sub3A_716 = arith.subf %get3A_689, %get3A_703 : vector<16xf32>
        %sub3A_717 = arith.subf %get3A_696, %get3A_710 : vector<16xf32>
        %mul3A_718 = arith.mulf %sub3A_716, %sub3A_716 : vector<16xf32>
        %mul3A_719 = arith.mulf %sub3A_717, %sub3A_717 : vector<16xf32>
        %add3A_720 = arith.addf %mul3A_718, %mul3A_719 : vector<16xf32>
        %mul3A_721 = arith.mulf %add3A_720, %get3A_715 : vector<16xf32>
        %max3A_722 = arith.maximumf %scan3A_579, %mul3A_721 : vector<16xf32>
        %min3A_723 = arith.minimumf %scan3A_579, %mul3A_721 : vector<16xf32>
        %max3A_724 = arith.maximumf %scan3A_580, %min3A_723 : vector<16xf32>
        %min3A_725 = arith.minimumf %scan3A_580, %min3A_723 : vector<16xf32>
        %max3A_726 = arith.maximumf %scan3A_581, %min3A_725 : vector<16xf32>
        %min3A_727 = arith.minimumf %scan3A_581, %min3A_725 : vector<16xf32>
        %max3A_728 = arith.maximumf %scan3A_582, %min3A_727 : vector<16xf32>
        %min3A_729 = arith.minimumf %scan3A_582, %min3A_727 : vector<16xf32>
        %max3A_730 = arith.maximumf %scan3A_583, %min3A_729 : vector<16xf32>
        %get3A_731 = arith.constant 0 : i32
        %get3A_732 = arith.constant 0 : i32
        %get3A_733 = arith.index_cast %get3A_731 : i32 to index
        %get3A_734 = arith.index_cast %get3A_732 : i32 to index
        %get3A_735 = arith.index_cast %scan3A_568 : i32 to index
        %get3A_736 = arith.constant 48 : index
        %get3A_737 = tpu.vector_load %arg6[%get3A_733, %get3A_734, %get3A_735, %get3A_736] {strides = array<i32>} : memref<2x2x133x64xf32, #tpu.memory_space<vmem>>, vector<16xf32>,
        %get3A_738 = arith.constant 0 : i32
        %get3A_739 = arith.constant 1 : i32
        %get3A_740 = arith.index_cast %get3A_738 : i32 to index
        %get3A_741 = arith.index_cast %get3A_739 : i32 to index
        %get3A_742 = arith.index_cast %scan3A_568 : i32 to index
        %get3A_743 = arith.constant 48 : index
        %get3A_744 = tpu.vector_load %arg6[%get3A_740, %get3A_741, %get3A_742, %get3A_743] {strides = array<i32>} : memref<2x2x133x64xf32, #tpu.memory_space<vmem>>, vector<16xf32>,
        %get3A_745 = arith.constant 0 : i32
        %get3A_746 = arith.constant 0 : i32
        %get3A_747 = arith.index_cast %get3A_745 : i32 to index
        %get3A_748 = arith.index_cast %get3A_746 : i32 to index
        %get3A_749 = arith.index_cast %scan3A_568 : i32 to index
        %get3A_750 = arith.constant 48 : index
        %get3A_751 = tpu.vector_load %arg7[%get3A_747, %get3A_748, %get3A_749, %get3A_750] {strides = array<i32>} : memref<2x2x133x64xf32, #tpu.memory_space<vmem>>, vector<16xf32>,
        %get3A_752 = arith.constant 0 : i32
        %get3A_753 = arith.constant 1 : i32
        %get3A_754 = arith.index_cast %get3A_752 : i32 to index
        %get3A_755 = arith.index_cast %get3A_753 : i32 to index
        %get3A_756 = arith.index_cast %scan3A_568 : i32 to index
        %get3A_757 = arith.constant 48 : index
        %get3A_758 = tpu.vector_load %arg7[%get3A_754, %get3A_755, %get3A_756, %get3A_757] {strides = array<i32>} : memref<2x2x133x64xf32, #tpu.memory_space<vmem>>, vector<16xf32>,
        %get3A_759 = arith.constant 0 : i32
        %get3A_760 = arith.index_cast %get3A_759 : i32 to index
        %get3A_761 = arith.index_cast %scan3A_568 : i32 to index
        %get3A_762 = arith.constant 48 : index
        %get3A_763 = tpu.vector_load %arg8[%get3A_760, %get3A_761, %get3A_762] {strides = array<i32>} : memref<2x133x64xf32, #tpu.memory_space<vmem>>, vector<16xf32>,
        %sub3A_764 = arith.subf %get3A_737, %get3A_751 : vector<16xf32>
        %sub3A_765 = arith.subf %get3A_744, %get3A_758 : vector<16xf32>
        %mul3A_766 = arith.mulf %sub3A_764, %sub3A_764 : vector<16xf32>
        %mul3A_767 = arith.mulf %sub3A_765, %sub3A_765 : vector<16xf32>
        %add3A_768 = arith.addf %mul3A_766, %mul3A_767 : vector<16xf32>
        %mul3A_769 = arith.mulf %add3A_768, %get3A_763 : vector<16xf32>
        %max3A_770 = arith.maximumf %scan3A_584, %mul3A_769 : vector<16xf32>
        %min3A_771 = arith.minimumf %scan3A_584, %mul3A_769 : vector<16xf32>
        %max3A_772 = arith.maximumf %scan3A_585, %min3A_771 : vector<16xf32>
        %min3A_773 = arith.minimumf %scan3A_585, %min3A_771 : vector<16xf32>
        %max3A_774 = arith.maximumf %scan3A_586, %min3A_773 : vector<16xf32>
        %min3A_775 = arith.minimumf %scan3A_586, %min3A_773 : vector<16xf32>
        %max3A_776 = arith.maximumf %scan3A_587, %min3A_775 : vector<16xf32>
        %min3A_777 = arith.minimumf %scan3A_587, %min3A_775 : vector<16xf32>
        %max3A_778 = arith.maximumf %scan3A_588, %min3A_777 : vector<16xf32>
        scf.yield %max3A, %max3A_628, %max3A_630, %max3A_632, %max3A_634, %max3A_674, %max3A_676, %max3A_678, %max3A_680, %max3A_682, %max3A_722, %max3A_724, %max3A_726, %max3A_728, %max3A_730, %max3A_770, %max3A_772, %max3A_774, %max3A_776, %max3A_778 : vector<16xf32>, vector<16xf32>, vector<16xf32>, vector<16xf32>, vector<16xf32>, vector<16xf32>, vector<16xf32>, vector<16xf32>, vector<16xf32>, vector<16xf32>, vector<16xf32>, vector<16xf32>, vector<16xf32>, vector<16xf32>, vector<16xf32>, vector<16xf32>, vector<16xf32>, vector<16xf32>, vector<16xf32>, vector<16xf32>
      }
      %scan3A_383 = arith.constant 133 : i32
      %get3A = arith.constant 0 : index
      %get3A_384 = tpu.vector_load %arg9[%get3A] {strides = array<i32>} : memref<16xf32, #tpu.memory_space<vmem>>, vector<16xf32>,
      %add3A_385 = arith.addf %scan3A_382#0, %scan3A_382#1 : vector<16xf32>
      %add3A_386 = arith.addf %add3A_385, %scan3A_382#2 : vector<16xf32>
      %add3A_387 = arith.addf %add3A_386, %scan3A_382#3 : vector<16xf32>
      %add3A_388 = arith.addf %add3A_387, %scan3A_382#4 : vector<16xf32>
      %add3A_389 = arith.addf %get3A_384, %add3A_388 : vector<16xf32>
      %add3A_390 = arith.addf %scan3A_382#5, %scan3A_382#6 : vector<16xf32>
      %add3A_391 = arith.addf %add3A_390, %scan3A_382#7 : vector<16xf32>
      %add3A_392 = arith.addf %add3A_391, %scan3A_382#8 : vector<16xf32>
      %add3A_393 = arith.addf %add3A_392, %scan3A_382#9 : vector<16xf32>
      %add3A_394 = arith.addf %add3A_389, %add3A_393 : vector<16xf32>
      %add3A_395 = arith.addf %scan3A_382#10, %scan3A_382#11 : vector<16xf32>
      %add3A_396 = arith.addf %add3A_395, %scan3A_382#12 : vector<16xf32>
      %add3A_397 = arith.addf %add3A_396, %scan3A_382#13 : vector<16xf32>
      %add3A_398 = arith.addf %add3A_397, %scan3A_382#14 : vector<16xf32>
      %add3A_399 = arith.addf %add3A_394, %add3A_398 : vector<16xf32>
      %add3A_400 = arith.addf %scan3A_382#15, %scan3A_382#16 : vector<16xf32>
      %add3A_401 = arith.addf %add3A_400, %scan3A_382#17 : vector<16xf32>
      %add3A_402 = arith.addf %add3A_401, %scan3A_382#18 : vector<16xf32>
      %add3A_403 = arith.addf %add3A_402, %scan3A_382#19 : vector<16xf32>
      %add3A_404 = arith.addf %add3A_399, %add3A_403 : vector<16xf32>
      %swap3A_405 = arith.constant 0 : index
      %swap3A_406 = tpu.vector_load %arg9[%swap3A_405] {strides = array<i32>} : memref<16xf32, #tpu.memory_space<vmem>>, vector<16xf32>,
      tpu.vector_store %arg9[%swap3A_405], %add3A_404 {strides = array<i32>} : memref<16xf32, #tpu.memory_space<vmem>>, vector<16xf32>,
      %lt3A_407 = arith.constant 3 : i32
      %lt3A_408 = arith.cmpi slt, %scan3A_124, %lt3A_407 : i32
      %convert_element_type3A = arith.extui %lt3A_408 : i1 to i32
      %cond3A = arith.constant 0 : i32
      %cond3A_409 = arith.cmpi ne, %convert_element_type3A, %cond3A : i32
      scf.if %cond3A_409 {
        %add3A_568 = arith.constant 2 : i32
        %add3A_569 = arith.addi %mul3A_126, %add3A_568 : i32
        %mul3A_570 = arith.constant 64 : i32
        %mul3A_571 = arith.muli %add3A_569, %mul3A_570 : i32
        %add3A_572 = arith.addi %mul3A_2, %mul3A_571 : i32
        %jit3A_573 = arith.constant 128 : i32
        %div3A_574 = arith.divsi %add3A_572, %jit3A_573 : i32
        %sign3A_575 = arith.constant 0 : i32
        %sign3A_576 = arith.cmpi sgt, %add3A_572, %sign3A_575 : i32
        %sign3A_577 = arith.extui %sign3A_576 : i1 to i32
        %sign3A_578 = arith.constant 0 : i32
        %sign3A_579 = arith.cmpi slt, %add3A_572, %sign3A_578 : i32
        %sign3A_580 = arith.extui %sign3A_579 : i1 to i32
        %sign3A_581 = arith.subi %sign3A_577, %sign3A_580 : i32
        %sign3A_582 = arith.constant 0 : i32
        %sign3A_583 = arith.cmpi sgt, %jit3A_573, %sign3A_582 : i32
        %sign3A_584 = arith.extui %sign3A_583 : i1 to i32
        %sign3A_585 = arith.constant 0 : i32
        %sign3A_586 = arith.cmpi slt, %jit3A_573, %sign3A_585 : i32
        %sign3A_587 = arith.extui %sign3A_586 : i1 to i32
        %sign3A_588 = arith.subi %sign3A_584, %sign3A_587 : i32
        %ne3A_589 = arith.cmpi ne, %sign3A_581, %sign3A_588 : i32
        %rem3A_590 = arith.remsi %add3A_572, %jit3A_573 : i32
        %ne3A_591 = arith.constant 0 : i32
        %ne3A_592 = arith.cmpi ne, %rem3A_590, %ne3A_591 : i32
        %and3A_593 = arith.andi %ne3A_589, %ne3A_592 : i1
        %sub3A_594 = arith.constant 1 : i32
        %sub3A_595 = arith.subi %div3A_574, %sub3A_594 : i32
        %select_n3A_596 = arith.select %and3A_593, %sub3A_595, %div3A_574 : i32
        %jit3A_597 = arith.constant 128 : i32
        %eq3A_598 = arith.constant 0 : i32
        %eq3A_599 = arith.cmpi eq, %jit3A_597, %eq3A_598 : i32
        %jit3A_600 = arith.constant 1 : i32
        %select_n3A_601 = arith.select %eq3A_599, %jit3A_600, %jit3A_597 : i32
        %rem3A_602 = arith.remsi %add3A_572, %select_n3A_601 : i32
        %ne3A_603 = arith.constant 0 : i32
        %ne3A_604 = arith.cmpi ne, %rem3A_602, %ne3A_603 : i32
        %lt3A_605 = arith.constant 0 : i32
        %lt3A_606 = arith.cmpi slt, %rem3A_602, %lt3A_605 : i32
        %lt3A_607 = arith.constant 0 : i32
        %lt3A_608 = arith.cmpi slt, %select_n3A_601, %lt3A_607 : i32
        %ne3A_609 = arith.xori %lt3A_606, %lt3A_608 : i1
        %and3A_610 = arith.andi %ne3A_609, %ne3A_604 : i1
        %add3A_611 = arith.addi %rem3A_602, %select_n3A_601 : i32
        %select_n3A_612 = arith.select %and3A_610, %add3A_611, %rem3A_602 : i32
        %dma_start3A_613 = arith.constant 0 : i32
        %dma_start3A_614 = arith.constant 0 : i32
        %dma_start3A_615 = arith.constant 0 : i32
        %dma_start3A_616 = arith.constant 0 : i32
        %dma_start3A_617 = arith.constant 0 : i32
        %dma_start3A_618 = tpu.memref_slice %arg6[%dma_start3A_614, %dma_start3A_615, %dma_start3A_616, %dma_start3A_617] : memref<2x2x133x64xf32, #tpu.memory_space<vmem>> -> memref<1x1x133x64xf32, #tpu.memory_space<vmem>>
        %dma_start3A_619 = tpu.memref_squeeze %dma_start3A_618 : memref<1x1x133x64xf32, #tpu.memory_space<vmem>> -> memref<133x64xf32, #tpu.memory_space<vmem>>
        %dma_start3A_620 = arith.constant 0 : i32
        %dma_start3A_621 = tpu.memref_slice %arg2[%dma_start3A_620, %select_n3A_596, %dma_start3A_613, %select_n3A_612] : memref<133x128x2x128xf32, #tpu.memory_space<hbm>> -> memref<133x1x1x64xf32, #tpu.memory_space<hbm>>
        %dma_start3A_622 = tpu.memref_squeeze %dma_start3A_621 : memref<133x1x1x64xf32, #tpu.memory_space<hbm>> -> memref<133x64xf32, #tpu.memory_space<hbm>>
        %dma_start3A_623 = arith.constant 0 : i32
        %dma_start3A_624 = arith.constant 0 : i32
        %dma_start3A_625 = tpu.memref_slice %arg6[%dma_start3A_614, %dma_start3A_615, %dma_start3A_623, %dma_start3A_624] : memref<2x2x133x64xf32, #tpu.memory_space<vmem>> -> memref<1x1x133x64xf32, #tpu.memory_space<vmem>>
        %dma_start3A_626 = tpu.memref_squeeze %dma_start3A_625 : memref<1x1x133x64xf32, #tpu.memory_space<vmem>> -> memref<133x64xf32, #tpu.memory_space<vmem>>
        %dma_start3A_627 = arith.constant 0 : i32
        %dma_start3A_628 = tpu.memref_slice %arg2[%dma_start3A_627, %select_n3A_596, %dma_start3A_613, %select_n3A_612] : memref<133x128x2x128xf32, #tpu.memory_space<hbm>> -> memref<133x1x1x64xf32, #tpu.memory_space<hbm>>
        %dma_start3A_629 = tpu.memref_squeeze %dma_start3A_628 : memref<133x1x1x64xf32, #tpu.memory_space<hbm>> -> memref<133x64xf32, #tpu.memory_space<hbm>>
        tpu.enqueue_dma source(%dma_start3A_629 : memref<133x64xf32, #tpu.memory_space<hbm>>) target(%dma_start3A_626 : memref<133x64xf32, #tpu.memory_space<vmem>>) target_semaphore(%arg10 : memref<!tpu.dma_semaphore, #tpu.memory_space<semaphore_mem>>)
        %dma_start3A_630 = arith.constant 1 : i32
        %dma_start3A_631 = arith.constant 0 : i32
        %dma_start3A_632 = arith.constant 1 : i32
        %dma_start3A_633 = arith.constant 0 : i32
        %dma_start3A_634 = arith.constant 0 : i32
        %dma_start3A_635 = tpu.memref_slice %arg6[%dma_start3A_631, %dma_start3A_632, %dma_start3A_633, %dma_start3A_634] : memref<2x2x133x64xf32, #tpu.memory_space<vmem>> -> memref<1x1x133x64xf32, #tpu.memory_space<vmem>>
        %dma_start3A_636 = tpu.memref_squeeze %dma_start3A_635 : memref<1x1x133x64xf32, #tpu.memory_space<vmem>> -> memref<133x64xf32, #tpu.memory_space<vmem>>
        %dma_start3A_637 = arith.constant 0 : i32
        %dma_start3A_638 = tpu.memref_slice %arg2[%dma_start3A_637, %select_n3A_596, %dma_start3A_630, %select_n3A_612] : memref<133x128x2x128xf32, #tpu.memory_space<hbm>> -> memref<133x1x1x64xf32, #tpu.memory_space<hbm>>
        %dma_start3A_639 = tpu.memref_squeeze %dma_start3A_638 : memref<133x1x1x64xf32, #tpu.memory_space<hbm>> -> memref<133x64xf32, #tpu.memory_space<hbm>>
        %dma_start3A_640 = arith.constant 0 : i32
        %dma_start3A_641 = arith.constant 0 : i32
        %dma_start3A_642 = tpu.memref_slice %arg6[%dma_start3A_631, %dma_start3A_632, %dma_start3A_640, %dma_start3A_641] : memref<2x2x133x64xf32, #tpu.memory_space<vmem>> -> memref<1x1x133x64xf32, #tpu.memory_space<vmem>>
        %dma_start3A_643 = tpu.memref_squeeze %dma_start3A_642 : memref<1x1x133x64xf32, #tpu.memory_space<vmem>> -> memref<133x64xf32, #tpu.memory_space<vmem>>
        %dma_start3A_644 = arith.constant 0 : i32
        %dma_start3A_645 = tpu.memref_slice %arg2[%dma_start3A_644, %select_n3A_596, %dma_start3A_630, %select_n3A_612] : memref<133x128x2x128xf32, #tpu.memory_space<hbm>> -> memref<133x1x1x64xf32, #tpu.memory_space<hbm>>
        %dma_start3A_646 = tpu.memref_squeeze %dma_start3A_645 : memref<133x1x1x64xf32, #tpu.memory_space<hbm>> -> memref<133x64xf32, #tpu.memory_space<hbm>>
        tpu.enqueue_dma source(%dma_start3A_646 : memref<133x64xf32, #tpu.memory_space<hbm>>) target(%dma_start3A_643 : memref<133x64xf32, #tpu.memory_space<vmem>>) target_semaphore(%arg10 : memref<!tpu.dma_semaphore, #tpu.memory_space<semaphore_mem>>)
        %dma_start3A_647 = arith.constant 0 : i32
        %dma_start3A_648 = arith.constant 0 : i32
        %dma_start3A_649 = arith.constant 0 : i32
        %dma_start3A_650 = arith.constant 0 : i32
        %dma_start3A_651 = arith.constant 0 : i32
        %dma_start3A_652 = tpu.memref_slice %arg7[%dma_start3A_648, %dma_start3A_649, %dma_start3A_650, %dma_start3A_651] : memref<2x2x133x64xf32, #tpu.memory_space<vmem>> -> memref<1x1x133x64xf32, #tpu.memory_space<vmem>>
        %dma_start3A_653 = tpu.memref_squeeze %dma_start3A_652 : memref<1x1x133x64xf32, #tpu.memory_space<vmem>> -> memref<133x64xf32, #tpu.memory_space<vmem>>
        %dma_start3A_654 = arith.constant 0 : i32
        %dma_start3A_655 = tpu.memref_slice %arg3[%dma_start3A_654, %select_n3A_596, %dma_start3A_647, %select_n3A_612] : memref<133x128x2x128xf32, #tpu.memory_space<hbm>> -> memref<133x1x1x64xf32, #tpu.memory_space<hbm>>
        %dma_start3A_656 = tpu.memref_squeeze %dma_start3A_655 : memref<133x1x1x64xf32, #tpu.memory_space<hbm>> -> memref<133x64xf32, #tpu.memory_space<hbm>>
        %dma_start3A_657 = arith.constant 0 : i32
        %dma_start3A_658 = arith.constant 0 : i32
        %dma_start3A_659 = tpu.memref_slice %arg7[%dma_start3A_648, %dma_start3A_649, %dma_start3A_657, %dma_start3A_658] : memref<2x2x133x64xf32, #tpu.memory_space<vmem>> -> memref<1x1x133x64xf32, #tpu.memory_space<vmem>>
        %dma_start3A_660 = tpu.memref_squeeze %dma_start3A_659 : memref<1x1x133x64xf32, #tpu.memory_space<vmem>> -> memref<133x64xf32, #tpu.memory_space<vmem>>
        %dma_start3A_661 = arith.constant 0 : i32
        %dma_start3A_662 = tpu.memref_slice %arg3[%dma_start3A_661, %select_n3A_596, %dma_start3A_647, %select_n3A_612] : memref<133x128x2x128xf32, #tpu.memory_space<hbm>> -> memref<133x1x1x64xf32, #tpu.memory_space<hbm>>
        %dma_start3A_663 = tpu.memref_squeeze %dma_start3A_662 : memref<133x1x1x64xf32, #tpu.memory_space<hbm>> -> memref<133x64xf32, #tpu.memory_space<hbm>>
        tpu.enqueue_dma source(%dma_start3A_663 : memref<133x64xf32, #tpu.memory_space<hbm>>) target(%dma_start3A_660 : memref<133x64xf32, #tpu.memory_space<vmem>>) target_semaphore(%arg10 : memref<!tpu.dma_semaphore, #tpu.memory_space<semaphore_mem>>)
        %dma_start3A_664 = arith.constant 1 : i32
        %dma_start3A_665 = arith.constant 0 : i32
        %dma_start3A_666 = arith.constant 1 : i32
        %dma_start3A_667 = arith.constant 0 : i32
        %dma_start3A_668 = arith.constant 0 : i32
        %dma_start3A_669 = tpu.memref_slice %arg7[%dma_start3A_665, %dma_start3A_666, %dma_start3A_667, %dma_start3A_668] : memref<2x2x133x64xf32, #tpu.memory_space<vmem>> -> memref<1x1x133x64xf32, #tpu.memory_space<vmem>>
        %dma_start3A_670 = tpu.memref_squeeze %dma_start3A_669 : memref<1x1x133x64xf32, #tpu.memory_space<vmem>> -> memref<133x64xf32, #tpu.memory_space<vmem>>
        %dma_start3A_671 = arith.constant 0 : i32
        %dma_start3A_672 = tpu.memref_slice %arg3[%dma_start3A_671, %select_n3A_596, %dma_start3A_664, %select_n3A_612] : memref<133x128x2x128xf32, #tpu.memory_space<hbm>> -> memref<133x1x1x64xf32, #tpu.memory_space<hbm>>
        %dma_start3A_673 = tpu.memref_squeeze %dma_start3A_672 : memref<133x1x1x64xf32, #tpu.memory_space<hbm>> -> memref<133x64xf32, #tpu.memory_space<hbm>>
        %dma_start3A_674 = arith.constant 0 : i32
        %dma_start3A_675 = arith.constant 0 : i32
        %dma_start3A_676 = tpu.memref_slice %arg7[%dma_start3A_665, %dma_start3A_666, %dma_start3A_674, %dma_start3A_675] : memref<2x2x133x64xf32, #tpu.memory_space<vmem>> -> memref<1x1x133x64xf32, #tpu.memory_space<vmem>>
        %dma_start3A_677 = tpu.memref_squeeze %dma_start3A_676 : memref<1x1x133x64xf32, #tpu.memory_space<vmem>> -> memref<133x64xf32, #tpu.memory_space<vmem>>
        %dma_start3A_678 = arith.constant 0 : i32
        %dma_start3A_679 = tpu.memref_slice %arg3[%dma_start3A_678, %select_n3A_596, %dma_start3A_664, %select_n3A_612] : memref<133x128x2x128xf32, #tpu.memory_space<hbm>> -> memref<133x1x1x64xf32, #tpu.memory_space<hbm>>
        %dma_start3A_680 = tpu.memref_squeeze %dma_start3A_679 : memref<133x1x1x64xf32, #tpu.memory_space<hbm>> -> memref<133x64xf32, #tpu.memory_space<hbm>>
        tpu.enqueue_dma source(%dma_start3A_680 : memref<133x64xf32, #tpu.memory_space<hbm>>) target(%dma_start3A_677 : memref<133x64xf32, #tpu.memory_space<vmem>>) target_semaphore(%arg10 : memref<!tpu.dma_semaphore, #tpu.memory_space<semaphore_mem>>)
        %dma_start3A_681 = arith.constant 0 : i32
        %dma_start3A_682 = arith.constant 0 : i32
        %dma_start3A_683 = arith.constant 0 : i32
        %dma_start3A_684 = tpu.memref_slice %arg8[%dma_start3A_681, %dma_start3A_682, %dma_start3A_683] : memref<2x133x64xf32, #tpu.memory_space<vmem>> -> memref<1x133x64xf32, #tpu.memory_space<vmem>>
        %dma_start3A_685 = tpu.memref_squeeze %dma_start3A_684 : memref<1x133x64xf32, #tpu.memory_space<vmem>> -> memref<133x64xf32, #tpu.memory_space<vmem>>
        %dma_start3A_686 = arith.constant 0 : i32
        %dma_start3A_687 = tpu.memref_slice %arg4[%dma_start3A_686, %add3A_572] : memref<133x16384xf32, #tpu.memory_space<hbm>> -> memref<133x64xf32, #tpu.memory_space<hbm>>
        %dma_start3A_688 = arith.constant 0 : i32
        %dma_start3A_689 = arith.constant 0 : i32
        %dma_start3A_690 = tpu.memref_slice %arg8[%dma_start3A_681, %dma_start3A_688, %dma_start3A_689] : memref<2x133x64xf32, #tpu.memory_space<vmem>> -> memref<1x133x64xf32, #tpu.memory_space<vmem>>
        %dma_start3A_691 = tpu.memref_squeeze %dma_start3A_690 : memref<1x133x64xf32, #tpu.memory_space<vmem>> -> memref<133x64xf32, #tpu.memory_space<vmem>>
        %dma_start3A_692 = arith.constant 0 : i32
        %dma_start3A_693 = tpu.memref_slice %arg4[%dma_start3A_692, %add3A_572] : memref<133x16384xf32, #tpu.memory_space<hbm>> -> memref<133x64xf32, #tpu.memory_space<hbm>>
        tpu.enqueue_dma source(%dma_start3A_693 : memref<133x64xf32, #tpu.memory_space<hbm>>) target(%dma_start3A_691 : memref<133x64xf32, #tpu.memory_space<vmem>>) target_semaphore(%arg10 : memref<!tpu.dma_semaphore, #tpu.memory_space<semaphore_mem>>)
      } else {
      }
      %add3A_410 = arith.constant 1 : i32
      %add3A_411 = arith.addi %mul3A_126, %add3A_410 : i32
      %mul3A_412 = arith.constant 64 : i32
      %mul3A_413 = arith.muli %add3A_411, %mul3A_412 : i32
      %add3A_414 = arith.addi %mul3A_2, %mul3A_413 : i32
      %jit3A_415 = arith.constant 128 : i32
      %div3A_416 = arith.divsi %add3A_414, %jit3A_415 : i32
      %sign3A_417 = arith.constant 0 : i32
      %sign3A_418 = arith.cmpi sgt, %add3A_414, %sign3A_417 : i32
      %sign3A_419 = arith.extui %sign3A_418 : i1 to i32
      %sign3A_420 = arith.constant 0 : i32
      %sign3A_421 = arith.cmpi slt, %add3A_414, %sign3A_420 : i32
      %sign3A_422 = arith.extui %sign3A_421 : i1 to i32
      %sign3A_423 = arith.subi %sign3A_419, %sign3A_422 : i32
      %sign3A_424 = arith.constant 0 : i32
      %sign3A_425 = arith.cmpi sgt, %jit3A_415, %sign3A_424 : i32
      %sign3A_426 = arith.extui %sign3A_425 : i1 to i32
      %sign3A_427 = arith.constant 0 : i32
      %sign3A_428 = arith.cmpi slt, %jit3A_415, %sign3A_427 : i32
      %sign3A_429 = arith.extui %sign3A_428 : i1 to i32
      %sign3A_430 = arith.subi %sign3A_426, %sign3A_429 : i32
      %ne3A_431 = arith.cmpi ne, %sign3A_423, %sign3A_430 : i32
      %rem3A_432 = arith.remsi %add3A_414, %jit3A_415 : i32
      %ne3A_433 = arith.constant 0 : i32
      %ne3A_434 = arith.cmpi ne, %rem3A_432, %ne3A_433 : i32
      %and3A_435 = arith.andi %ne3A_431, %ne3A_434 : i1
      %sub3A_436 = arith.constant 1 : i32
      %sub3A_437 = arith.subi %div3A_416, %sub3A_436 : i32
      %select_n3A_438 = arith.select %and3A_435, %sub3A_437, %div3A_416 : i32
      %jit3A_439 = arith.constant 128 : i32
      %eq3A_440 = arith.constant 0 : i32
      %eq3A_441 = arith.cmpi eq, %jit3A_439, %eq3A_440 : i32
      %jit3A_442 = arith.constant 1 : i32
      %select_n3A_443 = arith.select %eq3A_441, %jit3A_442, %jit3A_439 : i32
      %rem3A_444 = arith.remsi %add3A_414, %select_n3A_443 : i32
      %ne3A_445 = arith.constant 0 : i32
      %ne3A_446 = arith.cmpi ne, %rem3A_444, %ne3A_445 : i32
      %lt3A_447 = arith.constant 0 : i32
      %lt3A_448 = arith.cmpi slt, %rem3A_444, %lt3A_447 : i32
      %lt3A_449 = arith.constant 0 : i32
      %lt3A_450 = arith.cmpi slt, %select_n3A_443, %lt3A_449 : i32
      %ne3A_451 = arith.xori %lt3A_448, %lt3A_450 : i1
      %and3A_452 = arith.andi %ne3A_451, %ne3A_446 : i1
      %add3A_453 = arith.addi %rem3A_444, %select_n3A_443 : i32
      %select_n3A_454 = arith.select %and3A_452, %add3A_453, %rem3A_444 : i32
      %dma_wait3A_455 = arith.constant 0 : i32
      %dma_wait3A_456 = arith.constant 1 : i32
      %dma_wait3A_457 = arith.constant 0 : i32
      %dma_wait3A_458 = arith.constant 0 : i32
      %dma_wait3A_459 = arith.constant 0 : i32
      %dma_wait3A_460 = tpu.memref_slice %arg6[%dma_wait3A_456, %dma_wait3A_457, %dma_wait3A_458, %dma_wait3A_459] : memref<2x2x133x64xf32, #tpu.memory_space<vmem>> -> memref<1x1x133x64xf32, #tpu.memory_space<vmem>>
      %dma_wait3A_461 = tpu.memref_squeeze %dma_wait3A_460 : memref<1x1x133x64xf32, #tpu.memory_space<vmem>> -> memref<133x64xf32, #tpu.memory_space<vmem>>
      %dma_wait3A_462 = arith.constant 0 : i32
      %dma_wait3A_463 = tpu.memref_slice %arg2[%dma_wait3A_462, %select_n3A_438, %dma_wait3A_455, %select_n3A_454] : memref<133x128x2x128xf32, #tpu.memory_space<hbm>> -> memref<133x1x1x64xf32, #tpu.memory_space<hbm>>
      %dma_wait3A_464 = tpu.memref_squeeze %dma_wait3A_463 : memref<133x1x1x64xf32, #tpu.memory_space<hbm>> -> memref<133x64xf32, #tpu.memory_space<hbm>>
      %dma_wait3A_465 = arith.constant 0 : i32
      %dma_wait3A_466 = arith.constant 0 : i32
      %dma_wait3A_467 = tpu.memref_slice %arg6[%dma_wait3A_456, %dma_wait3A_457, %dma_wait3A_465, %dma_wait3A_466] : memref<2x2x133x64xf32, #tpu.memory_space<vmem>> -> memref<1x1x133x64xf32, #tpu.memory_space<vmem>>
      %dma_wait3A_468 = tpu.memref_squeeze %dma_wait3A_467 : memref<1x1x133x64xf32, #tpu.memory_space<vmem>> -> memref<133x64xf32, #tpu.memory_space<vmem>>
      %dma_wait3A_469 = arith.constant 0 : i32
      %dma_wait3A_470 = tpu.memref_slice %arg2[%dma_wait3A_469, %select_n3A_438, %dma_wait3A_455, %select_n3A_454] : memref<133x128x2x128xf32, #tpu.memory_space<hbm>> -> memref<133x1x1x64xf32, #tpu.memory_space<hbm>>
      %dma_wait3A_471 = tpu.memref_squeeze %dma_wait3A_470 : memref<133x1x1x64xf32, #tpu.memory_space<hbm>> -> memref<133x64xf32, #tpu.memory_space<hbm>>
      tpu.wait_dma2 semaphore(%arg11 : memref<!tpu.dma_semaphore, #tpu.memory_space<semaphore_mem>>) src(%dma_wait3A_471 : memref<133x64xf32, #tpu.memory_space<hbm>>) dst(%dma_wait3A_468 : memref<133x64xf32, #tpu.memory_space<vmem>>)
      %dma_wait3A_472 = arith.constant 1 : i32
      %dma_wait3A_473 = arith.constant 1 : i32
      %dma_wait3A_474 = arith.constant 1 : i32
      %dma_wait3A_475 = arith.constant 0 : i32
      %dma_wait3A_476 = arith.constant 0 : i32
      %dma_wait3A_477 = tpu.memref_slice %arg6[%dma_wait3A_473, %dma_wait3A_474, %dma_wait3A_475, %dma_wait3A_476] : memref<2x2x133x64xf32, #tpu.memory_space<vmem>> -> memref<1x1x133x64xf32, #tpu.memory_space<vmem>>
      %dma_wait3A_478 = tpu.memref_squeeze %dma_wait3A_477 : memref<1x1x133x64xf32, #tpu.memory_space<vmem>> -> memref<133x64xf32, #tpu.memory_space<vmem>>
      %dma_wait3A_479 = arith.constant 0 : i32
      %dma_wait3A_480 = tpu.memref_slice %arg2[%dma_wait3A_479, %select_n3A_438, %dma_wait3A_472, %select_n3A_454] : memref<133x128x2x128xf32, #tpu.memory_space<hbm>> -> memref<133x1x1x64xf32, #tpu.memory_space<hbm>>
      %dma_wait3A_481 = tpu.memref_squeeze %dma_wait3A_480 : memref<133x1x1x64xf32, #tpu.memory_space<hbm>> -> memref<133x64xf32, #tpu.memory_space<hbm>>
      %dma_wait3A_482 = arith.constant 0 : i32
      %dma_wait3A_483 = arith.constant 0 : i32
      %dma_wait3A_484 = tpu.memref_slice %arg6[%dma_wait3A_473, %dma_wait3A_474, %dma_wait3A_482, %dma_wait3A_483] : memref<2x2x133x64xf32, #tpu.memory_space<vmem>> -> memref<1x1x133x64xf32, #tpu.memory_space<vmem>>
      %dma_wait3A_485 = tpu.memref_squeeze %dma_wait3A_484 : memref<1x1x133x64xf32, #tpu.memory_space<vmem>> -> memref<133x64xf32, #tpu.memory_space<vmem>>
      %dma_wait3A_486 = arith.constant 0 : i32
      %dma_wait3A_487 = tpu.memref_slice %arg2[%dma_wait3A_486, %select_n3A_438, %dma_wait3A_472, %select_n3A_454] : memref<133x128x2x128xf32, #tpu.memory_space<hbm>> -> memref<133x1x1x64xf32, #tpu.memory_space<hbm>>
      %dma_wait3A_488 = tpu.memref_squeeze %dma_wait3A_487 : memref<133x1x1x64xf32, #tpu.memory_space<hbm>> -> memref<133x64xf32, #tpu.memory_space<hbm>>
      tpu.wait_dma2 semaphore(%arg11 : memref<!tpu.dma_semaphore, #tpu.memory_space<semaphore_mem>>) src(%dma_wait3A_488 : memref<133x64xf32, #tpu.memory_space<hbm>>) dst(%dma_wait3A_485 : memref<133x64xf32, #tpu.memory_space<vmem>>)
      %dma_wait3A_489 = arith.constant 0 : i32
      %dma_wait3A_490 = arith.constant 1 : i32
      %dma_wait3A_491 = arith.constant 0 : i32
      %dma_wait3A_492 = arith.constant 0 : i32
      %dma_wait3A_493 = arith.constant 0 : i32
      %dma_wait3A_494 = tpu.memref_slice %arg7[%dma_wait3A_490, %dma_wait3A_491, %dma_wait3A_492, %dma_wait3A_493] : memref<2x2x133x64xf32, #tpu.memory_space<vmem>> -> memref<1x1x133x64xf32, #tpu.memory_space<vmem>>
      %dma_wait3A_495 = tpu.memref_squeeze %dma_wait3A_494 : memref<1x1x133x64xf32, #tpu.memory_space<vmem>> -> memref<133x64xf32, #tpu.memory_space<vmem>>
      %dma_wait3A_496 = arith.constant 0 : i32
      %dma_wait3A_497 = tpu.memref_slice %arg3[%dma_wait3A_496, %select_n3A_438, %dma_wait3A_489, %select_n3A_454] : memref<133x128x2x128xf32, #tpu.memory_space<hbm>> -> memref<133x1x1x64xf32, #tpu.memory_space<hbm>>
      %dma_wait3A_498 = tpu.memref_squeeze %dma_wait3A_497 : memref<133x1x1x64xf32, #tpu.memory_space<hbm>> -> memref<133x64xf32, #tpu.memory_space<hbm>>
      %dma_wait3A_499 = arith.constant 0 : i32
      %dma_wait3A_500 = arith.constant 0 : i32
      %dma_wait3A_501 = tpu.memref_slice %arg7[%dma_wait3A_490, %dma_wait3A_491, %dma_wait3A_499, %dma_wait3A_500] : memref<2x2x133x64xf32, #tpu.memory_space<vmem>> -> memref<1x1x133x64xf32, #tpu.memory_space<vmem>>
      %dma_wait3A_502 = tpu.memref_squeeze %dma_wait3A_501 : memref<1x1x133x64xf32, #tpu.memory_space<vmem>> -> memref<133x64xf32, #tpu.memory_space<vmem>>
      %dma_wait3A_503 = arith.constant 0 : i32
      %dma_wait3A_504 = tpu.memref_slice %arg3[%dma_wait3A_503, %select_n3A_438, %dma_wait3A_489, %select_n3A_454] : memref<133x128x2x128xf32, #tpu.memory_space<hbm>> -> memref<133x1x1x64xf32, #tpu.memory_space<hbm>>
      %dma_wait3A_505 = tpu.memref_squeeze %dma_wait3A_504 : memref<133x1x1x64xf32, #tpu.memory_space<hbm>> -> memref<133x64xf32, #tpu.memory_space<hbm>>
      tpu.wait_dma2 semaphore(%arg11 : memref<!tpu.dma_semaphore, #tpu.memory_space<semaphore_mem>>) src(%dma_wait3A_505 : memref<133x64xf32, #tpu.memory_space<hbm>>) dst(%dma_wait3A_502 : memref<133x64xf32, #tpu.memory_space<vmem>>)
      %dma_wait3A_506 = arith.constant 1 : i32
      %dma_wait3A_507 = arith.constant 1 : i32
      %dma_wait3A_508 = arith.constant 1 : i32
      %dma_wait3A_509 = arith.constant 0 : i32
      %dma_wait3A_510 = arith.constant 0 : i32
      %dma_wait3A_511 = tpu.memref_slice %arg7[%dma_wait3A_507, %dma_wait3A_508, %dma_wait3A_509, %dma_wait3A_510] : memref<2x2x133x64xf32, #tpu.memory_space<vmem>> -> memref<1x1x133x64xf32, #tpu.memory_space<vmem>>
      %dma_wait3A_512 = tpu.memref_squeeze %dma_wait3A_511 : memref<1x1x133x64xf32, #tpu.memory_space<vmem>> -> memref<133x64xf32, #tpu.memory_space<vmem>>
      %dma_wait3A_513 = arith.constant 0 : i32
      %dma_wait3A_514 = tpu.memref_slice %arg3[%dma_wait3A_513, %select_n3A_438, %dma_wait3A_506, %select_n3A_454] : memref<133x128x2x128xf32, #tpu.memory_space<hbm>> -> memref<133x1x1x64xf32, #tpu.memory_space<hbm>>
      %dma_wait3A_515 = tpu.memref_squeeze %dma_wait3A_514 : memref<133x1x1x64xf32, #tpu.memory_space<hbm>> -> memref<133x64xf32, #tpu.memory_space<hbm>>
      %dma_wait3A_516 = arith.constant 0 : i32
      %dma_wait3A_517 = arith.constant 0 : i32
      %dma_wait3A_518 = tpu.memref_slice %arg7[%dma_wait3A_507, %dma_wait3A_508, %dma_wait3A_516, %dma_wait3A_517] : memref<2x2x133x64xf32, #tpu.memory_space<vmem>> -> memref<1x1x133x64xf32, #tpu.memory_space<vmem>>
      %dma_wait3A_519 = tpu.memref_squeeze %dma_wait3A_518 : memref<1x1x133x64xf32, #tpu.memory_space<vmem>> -> memref<133x64xf32, #tpu.memory_space<vmem>>
      %dma_wait3A_520 = arith.constant 0 : i32
      %dma_wait3A_521 = tpu.memref_slice %arg3[%dma_wait3A_520, %select_n3A_438, %dma_wait3A_506, %select_n3A_454] : memref<133x128x2x128xf32, #tpu.memory_space<hbm>> -> memref<133x1x1x64xf32, #tpu.memory_space<hbm>>
      %dma_wait3A_522 = tpu.memref_squeeze %dma_wait3A_521 : memref<133x1x1x64xf32, #tpu.memory_space<hbm>> -> memref<133x64xf32, #tpu.memory_space<hbm>>
      tpu.wait_dma2 semaphore(%arg11 : memref<!tpu.dma_semaphore, #tpu.memory_space<semaphore_mem>>) src(%dma_wait3A_522 : memref<133x64xf32, #tpu.memory_space<hbm>>) dst(%dma_wait3A_519 : memref<133x64xf32, #tpu.memory_space<vmem>>)
      %dma_wait3A_523 = arith.constant 1 : i32
      %dma_wait3A_524 = arith.constant 0 : i32
      %dma_wait3A_525 = arith.constant 0 : i32
      %dma_wait3A_526 = tpu.memref_slice %arg8[%dma_wait3A_523, %dma_wait3A_524, %dma_wait3A_525] : memref<2x133x64xf32, #tpu.memory_space<vmem>> -> memref<1x133x64xf32, #tpu.memory_space<vmem>>
      %dma_wait3A_527 = tpu.memref_squeeze %dma_wait3A_526 : memref<1x133x64xf32, #tpu.memory_space<vmem>> -> memref<133x64xf32, #tpu.memory_space<vmem>>
      %dma_wait3A_528 = arith.constant 0 : i32
      %dma_wait3A_529 = tpu.memref_slice %arg4[%dma_wait3A_528, %add3A_414] : memref<133x16384xf32, #tpu.memory_space<hbm>> -> memref<133x64xf32, #tpu.memory_space<hbm>>
      %dma_wait3A_530 = arith.constant 0 : i32
      %dma_wait3A_531 = arith.constant 0 : i32
      %dma_wait3A_532 = tpu.memref_slice %arg8[%dma_wait3A_523, %dma_wait3A_530, %dma_wait3A_531] : memref<2x133x64xf32, #tpu.memory_space<vmem>> -> memref<1x133x64xf32, #tpu.memory_space<vmem>>
      %dma_wait3A_533 = tpu.memref_squeeze %dma_wait3A_532 : memref<1x133x64xf32, #tpu.memory_space<vmem>> -> memref<133x64xf32, #tpu.memory_space<vmem>>
      %dma_wait3A_534 = arith.constant 0 : i32
      %dma_wait3A_535 = tpu.memref_slice %arg4[%dma_wait3A_534, %add3A_414] : memref<133x16384xf32, #tpu.memory_space<hbm>> -> memref<133x64xf32, #tpu.memory_space<hbm>>
      tpu.wait_dma2 semaphore(%arg11 : memref<!tpu.dma_semaphore, #tpu.memory_space<semaphore_mem>>) src(%dma_wait3A_535 : memref<133x64xf32, #tpu.memory_space<hbm>>) dst(%dma_wait3A_533 : memref<133x64xf32, #tpu.memory_space<vmem>>)
      %broadcast_in_dim3A_536 = arith.constant -3.40282347E+38 : f32
      %broadcast_in_dim3A_537 = vector.broadcast %broadcast_in_dim3A_536 : f32 to vector<16xf32>
      %scan3A_538 = arith.constant 0 : i32
      %scan3A_539 = arith.constant 133 : i32
      %scan3A_540 = arith.addi %scan3A_538, %scan3A_539 : i32
      %scan3A_541 = arith.constant 1 : i32
      %scan3A_542:20 = scf.for %scan3A_568 = %scan3A_538 to %scan3A_540 step %scan3A_541 iter_args(%scan3A_569 = %broadcast_in_dim3A_537, %scan3A_570 = %broadcast_in_dim3A_537, %scan3A_571 = %broadcast_in_dim3A_537, %scan3A_572 = %broadcast_in_dim3A_537, %scan3A_573 = %broadcast_in_dim3A_537, %scan3A_574 = %broadcast_in_dim3A_537, %scan3A_575 = %broadcast_in_dim3A_537, %scan3A_576 = %broadcast_in_dim3A_537, %scan3A_577 = %broadcast_in_dim3A_537, %scan3A_578 = %broadcast_in_dim3A_537, %scan3A_579 = %broadcast_in_dim3A_537, %scan3A_580 = %broadcast_in_dim3A_537, %scan3A_581 = %broadcast_in_dim3A_537, %scan3A_582 = %broadcast_in_dim3A_537, %scan3A_583 = %broadcast_in_dim3A_537, %scan3A_584 = %broadcast_in_dim3A_537, %scan3A_585 = %broadcast_in_dim3A_537, %scan3A_586 = %broadcast_in_dim3A_537, %scan3A_587 = %broadcast_in_dim3A_537, %scan3A_588 = %broadcast_in_dim3A_537) -> (vector<16xf32>, vector<16xf32>, vector<16xf32>, vector<16xf32>, vector<16xf32>, vector<16xf32>, vector<16xf32>, vector<16xf32>, vector<16xf32>, vector<16xf32>, vector<16xf32>, vector<16xf32>, vector<16xf32>, vector<16xf32>, vector<16xf32>, vector<16xf32>, vector<16xf32>, vector<16xf32>, vector<16xf32>, vector<16xf32>)  : i32 {
        %get3A_589 = arith.constant 1 : i32
        %get3A_590 = arith.constant 0 : i32
        %get3A_591 = arith.index_cast %get3A_589 : i32 to index
        %get3A_592 = arith.index_cast %get3A_590 : i32 to index
        %get3A_593 = arith.index_cast %scan3A_568 : i32 to index
        %get3A_594 = arith.constant 0 : index
        %get3A_595 = tpu.vector_load %arg6[%get3A_591, %get3A_592, %get3A_593, %get3A_594] {strides = array<i32>} : memref<2x2x133x64xf32, #tpu.memory_space<vmem>>, vector<16xf32>,
        %get3A_596 = arith.constant 1 : i32
        %get3A_597 = arith.constant 1 : i32
        %get3A_598 = arith.index_cast %get3A_596 : i32 to index
        %get3A_599 = arith.index_cast %get3A_597 : i32 to index
        %get3A_600 = arith.index_cast %scan3A_568 : i32 to index
        %get3A_601 = arith.constant 0 : index
        %get3A_602 = tpu.vector_load %arg6[%get3A_598, %get3A_599, %get3A_600, %get3A_601] {strides = array<i32>} : memref<2x2x133x64xf32, #tpu.memory_space<vmem>>, vector<16xf32>,
        %get3A_603 = arith.constant 1 : i32
        %get3A_604 = arith.constant 0 : i32
        %get3A_605 = arith.index_cast %get3A_603 : i32 to index
        %get3A_606 = arith.index_cast %get3A_604 : i32 to index
        %get3A_607 = arith.index_cast %scan3A_568 : i32 to index
        %get3A_608 = arith.constant 0 : index
        %get3A_609 = tpu.vector_load %arg7[%get3A_605, %get3A_606, %get3A_607, %get3A_608] {strides = array<i32>} : memref<2x2x133x64xf32, #tpu.memory_space<vmem>>, vector<16xf32>,
        %get3A_610 = arith.constant 1 : i32
        %get3A_611 = arith.constant 1 : i32
        %get3A_612 = arith.index_cast %get3A_610 : i32 to index
        %get3A_613 = arith.index_cast %get3A_611 : i32 to index
        %get3A_614 = arith.index_cast %scan3A_568 : i32 to index
        %get3A_615 = arith.constant 0 : index
        %get3A_616 = tpu.vector_load %arg7[%get3A_612, %get3A_613, %get3A_614, %get3A_615] {strides = array<i32>} : memref<2x2x133x64xf32, #tpu.memory_space<vmem>>, vector<16xf32>,
        %get3A_617 = arith.constant 1 : i32
        %get3A_618 = arith.index_cast %get3A_617 : i32 to index
        %get3A_619 = arith.index_cast %scan3A_568 : i32 to index
        %get3A_620 = arith.constant 0 : index
        %get3A_621 = tpu.vector_load %arg8[%get3A_618, %get3A_619, %get3A_620] {strides = array<i32>} : memref<2x133x64xf32, #tpu.memory_space<vmem>>, vector<16xf32>,
        %sub3A_622 = arith.subf %get3A_595, %get3A_609 : vector<16xf32>
        %sub3A_623 = arith.subf %get3A_602, %get3A_616 : vector<16xf32>
        %mul3A_624 = arith.mulf %sub3A_622, %sub3A_622 : vector<16xf32>
        %mul3A_625 = arith.mulf %sub3A_623, %sub3A_623 : vector<16xf32>
        %add3A_626 = arith.addf %mul3A_624, %mul3A_625 : vector<16xf32>
        %mul3A_627 = arith.mulf %add3A_626, %get3A_621 : vector<16xf32>
        %max3A = arith.maximumf %scan3A_569, %mul3A_627 : vector<16xf32>
        %min3A = arith.minimumf %scan3A_569, %mul3A_627 : vector<16xf32>
        %max3A_628 = arith.maximumf %scan3A_570, %min3A : vector<16xf32>
        %min3A_629 = arith.minimumf %scan3A_570, %min3A : vector<16xf32>
        %max3A_630 = arith.maximumf %scan3A_571, %min3A_629 : vector<16xf32>
        %min3A_631 = arith.minimumf %scan3A_571, %min3A_629 : vector<16xf32>
        %max3A_632 = arith.maximumf %scan3A_572, %min3A_631 : vector<16xf32>
        %min3A_633 = arith.minimumf %scan3A_572, %min3A_631 : vector<16xf32>
        %max3A_634 = arith.maximumf %scan3A_573, %min3A_633 : vector<16xf32>
        %get3A_635 = arith.constant 1 : i32
        %get3A_636 = arith.constant 0 : i32
        %get3A_637 = arith.index_cast %get3A_635 : i32 to index
        %get3A_638 = arith.index_cast %get3A_636 : i32 to index
        %get3A_639 = arith.index_cast %scan3A_568 : i32 to index
        %get3A_640 = arith.constant 16 : index
        %get3A_641 = tpu.vector_load %arg6[%get3A_637, %get3A_638, %get3A_639, %get3A_640] {strides = array<i32>} : memref<2x2x133x64xf32, #tpu.memory_space<vmem>>, vector<16xf32>,
        %get3A_642 = arith.constant 1 : i32
        %get3A_643 = arith.constant 1 : i32
        %get3A_644 = arith.index_cast %get3A_642 : i32 to index
        %get3A_645 = arith.index_cast %get3A_643 : i32 to index
        %get3A_646 = arith.index_cast %scan3A_568 : i32 to index
        %get3A_647 = arith.constant 16 : index
        %get3A_648 = tpu.vector_load %arg6[%get3A_644, %get3A_645, %get3A_646, %get3A_647] {strides = array<i32>} : memref<2x2x133x64xf32, #tpu.memory_space<vmem>>, vector<16xf32>,
        %get3A_649 = arith.constant 1 : i32
        %get3A_650 = arith.constant 0 : i32
        %get3A_651 = arith.index_cast %get3A_649 : i32 to index
        %get3A_652 = arith.index_cast %get3A_650 : i32 to index
        %get3A_653 = arith.index_cast %scan3A_568 : i32 to index
        %get3A_654 = arith.constant 16 : index
        %get3A_655 = tpu.vector_load %arg7[%get3A_651, %get3A_652, %get3A_653, %get3A_654] {strides = array<i32>} : memref<2x2x133x64xf32, #tpu.memory_space<vmem>>, vector<16xf32>,
        %get3A_656 = arith.constant 1 : i32
        %get3A_657 = arith.constant 1 : i32
        %get3A_658 = arith.index_cast %get3A_656 : i32 to index
        %get3A_659 = arith.index_cast %get3A_657 : i32 to index
        %get3A_660 = arith.index_cast %scan3A_568 : i32 to index
        %get3A_661 = arith.constant 16 : index
        %get3A_662 = tpu.vector_load %arg7[%get3A_658, %get3A_659, %get3A_660, %get3A_661] {strides = array<i32>} : memref<2x2x133x64xf32, #tpu.memory_space<vmem>>, vector<16xf32>,
        %get3A_663 = arith.constant 1 : i32
        %get3A_664 = arith.index_cast %get3A_663 : i32 to index
        %get3A_665 = arith.index_cast %scan3A_568 : i32 to index
        %get3A_666 = arith.constant 16 : index
        %get3A_667 = tpu.vector_load %arg8[%get3A_664, %get3A_665, %get3A_666] {strides = array<i32>} : memref<2x133x64xf32, #tpu.memory_space<vmem>>, vector<16xf32>,
        %sub3A_668 = arith.subf %get3A_641, %get3A_655 : vector<16xf32>
        %sub3A_669 = arith.subf %get3A_648, %get3A_662 : vector<16xf32>
        %mul3A_670 = arith.mulf %sub3A_668, %sub3A_668 : vector<16xf32>
        %mul3A_671 = arith.mulf %sub3A_669, %sub3A_669 : vector<16xf32>
        %add3A_672 = arith.addf %mul3A_670, %mul3A_671 : vector<16xf32>
        %mul3A_673 = arith.mulf %add3A_672, %get3A_667 : vector<16xf32>
        %max3A_674 = arith.maximumf %scan3A_574, %mul3A_673 : vector<16xf32>
        %min3A_675 = arith.minimumf %scan3A_574, %mul3A_673 : vector<16xf32>
        %max3A_676 = arith.maximumf %scan3A_575, %min3A_675 : vector<16xf32>
        %min3A_677 = arith.minimumf %scan3A_575, %min3A_675 : vector<16xf32>
        %max3A_678 = arith.maximumf %scan3A_576, %min3A_677 : vector<16xf32>
        %min3A_679 = arith.minimumf %scan3A_576, %min3A_677 : vector<16xf32>
        %max3A_680 = arith.maximumf %scan3A_577, %min3A_679 : vector<16xf32>
        %min3A_681 = arith.minimumf %scan3A_577, %min3A_679 : vector<16xf32>
        %max3A_682 = arith.maximumf %scan3A_578, %min3A_681 : vector<16xf32>
        %get3A_683 = arith.constant 1 : i32
        %get3A_684 = arith.constant 0 : i32
        %get3A_685 = arith.index_cast %get3A_683 : i32 to index
        %get3A_686 = arith.index_cast %get3A_684 : i32 to index
        %get3A_687 = arith.index_cast %scan3A_568 : i32 to index
        %get3A_688 = arith.constant 32 : index
        %get3A_689 = tpu.vector_load %arg6[%get3A_685, %get3A_686, %get3A_687, %get3A_688] {strides = array<i32>} : memref<2x2x133x64xf32, #tpu.memory_space<vmem>>, vector<16xf32>,
        %get3A_690 = arith.constant 1 : i32
        %get3A_691 = arith.constant 1 : i32
        %get3A_692 = arith.index_cast %get3A_690 : i32 to index
        %get3A_693 = arith.index_cast %get3A_691 : i32 to index
        %get3A_694 = arith.index_cast %scan3A_568 : i32 to index
        %get3A_695 = arith.constant 32 : index
        %get3A_696 = tpu.vector_load %arg6[%get3A_692, %get3A_693, %get3A_694, %get3A_695] {strides = array<i32>} : memref<2x2x133x64xf32, #tpu.memory_space<vmem>>, vector<16xf32>,
        %get3A_697 = arith.constant 1 : i32
        %get3A_698 = arith.constant 0 : i32
        %get3A_699 = arith.index_cast %get3A_697 : i32 to index
        %get3A_700 = arith.index_cast %get3A_698 : i32 to index
        %get3A_701 = arith.index_cast %scan3A_568 : i32 to index
        %get3A_702 = arith.constant 32 : index
        %get3A_703 = tpu.vector_load %arg7[%get3A_699, %get3A_700, %get3A_701, %get3A_702] {strides = array<i32>} : memref<2x2x133x64xf32, #tpu.memory_space<vmem>>, vector<16xf32>,
        %get3A_704 = arith.constant 1 : i32
        %get3A_705 = arith.constant 1 : i32
        %get3A_706 = arith.index_cast %get3A_704 : i32 to index
        %get3A_707 = arith.index_cast %get3A_705 : i32 to index
        %get3A_708 = arith.index_cast %scan3A_568 : i32 to index
        %get3A_709 = arith.constant 32 : index
        %get3A_710 = tpu.vector_load %arg7[%get3A_706, %get3A_707, %get3A_708, %get3A_709] {strides = array<i32>} : memref<2x2x133x64xf32, #tpu.memory_space<vmem>>, vector<16xf32>,
        %get3A_711 = arith.constant 1 : i32
        %get3A_712 = arith.index_cast %get3A_711 : i32 to index
        %get3A_713 = arith.index_cast %scan3A_568 : i32 to index
        %get3A_714 = arith.constant 32 : index
        %get3A_715 = tpu.vector_load %arg8[%get3A_712, %get3A_713, %get3A_714] {strides = array<i32>} : memref<2x133x64xf32, #tpu.memory_space<vmem>>, vector<16xf32>,
        %sub3A_716 = arith.subf %get3A_689, %get3A_703 : vector<16xf32>
        %sub3A_717 = arith.subf %get3A_696, %get3A_710 : vector<16xf32>
        %mul3A_718 = arith.mulf %sub3A_716, %sub3A_716 : vector<16xf32>
        %mul3A_719 = arith.mulf %sub3A_717, %sub3A_717 : vector<16xf32>
        %add3A_720 = arith.addf %mul3A_718, %mul3A_719 : vector<16xf32>
        %mul3A_721 = arith.mulf %add3A_720, %get3A_715 : vector<16xf32>
        %max3A_722 = arith.maximumf %scan3A_579, %mul3A_721 : vector<16xf32>
        %min3A_723 = arith.minimumf %scan3A_579, %mul3A_721 : vector<16xf32>
        %max3A_724 = arith.maximumf %scan3A_580, %min3A_723 : vector<16xf32>
        %min3A_725 = arith.minimumf %scan3A_580, %min3A_723 : vector<16xf32>
        %max3A_726 = arith.maximumf %scan3A_581, %min3A_725 : vector<16xf32>
        %min3A_727 = arith.minimumf %scan3A_581, %min3A_725 : vector<16xf32>
        %max3A_728 = arith.maximumf %scan3A_582, %min3A_727 : vector<16xf32>
        %min3A_729 = arith.minimumf %scan3A_582, %min3A_727 : vector<16xf32>
        %max3A_730 = arith.maximumf %scan3A_583, %min3A_729 : vector<16xf32>
        %get3A_731 = arith.constant 1 : i32
        %get3A_732 = arith.constant 0 : i32
        %get3A_733 = arith.index_cast %get3A_731 : i32 to index
        %get3A_734 = arith.index_cast %get3A_732 : i32 to index
        %get3A_735 = arith.index_cast %scan3A_568 : i32 to index
        %get3A_736 = arith.constant 48 : index
        %get3A_737 = tpu.vector_load %arg6[%get3A_733, %get3A_734, %get3A_735, %get3A_736] {strides = array<i32>} : memref<2x2x133x64xf32, #tpu.memory_space<vmem>>, vector<16xf32>,
        %get3A_738 = arith.constant 1 : i32
        %get3A_739 = arith.constant 1 : i32
        %get3A_740 = arith.index_cast %get3A_738 : i32 to index
        %get3A_741 = arith.index_cast %get3A_739 : i32 to index
        %get3A_742 = arith.index_cast %scan3A_568 : i32 to index
        %get3A_743 = arith.constant 48 : index
        %get3A_744 = tpu.vector_load %arg6[%get3A_740, %get3A_741, %get3A_742, %get3A_743] {strides = array<i32>} : memref<2x2x133x64xf32, #tpu.memory_space<vmem>>, vector<16xf32>,
        %get3A_745 = arith.constant 1 : i32
        %get3A_746 = arith.constant 0 : i32
        %get3A_747 = arith.index_cast %get3A_745 : i32 to index
        %get3A_748 = arith.index_cast %get3A_746 : i32 to index
        %get3A_749 = arith.index_cast %scan3A_568 : i32 to index
        %get3A_750 = arith.constant 48 : index
        %get3A_751 = tpu.vector_load %arg7[%get3A_747, %get3A_748, %get3A_749, %get3A_750] {strides = array<i32>} : memref<2x2x133x64xf32, #tpu.memory_space<vmem>>, vector<16xf32>,
        %get3A_752 = arith.constant 1 : i32
        %get3A_753 = arith.constant 1 : i32
        %get3A_754 = arith.index_cast %get3A_752 : i32 to index
        %get3A_755 = arith.index_cast %get3A_753 : i32 to index
        %get3A_756 = arith.index_cast %scan3A_568 : i32 to index
        %get3A_757 = arith.constant 48 : index
        %get3A_758 = tpu.vector_load %arg7[%get3A_754, %get3A_755, %get3A_756, %get3A_757] {strides = array<i32>} : memref<2x2x133x64xf32, #tpu.memory_space<vmem>>, vector<16xf32>,
        %get3A_759 = arith.constant 1 : i32
        %get3A_760 = arith.index_cast %get3A_759 : i32 to index
        %get3A_761 = arith.index_cast %scan3A_568 : i32 to index
        %get3A_762 = arith.constant 48 : index
        %get3A_763 = tpu.vector_load %arg8[%get3A_760, %get3A_761, %get3A_762] {strides = array<i32>} : memref<2x133x64xf32, #tpu.memory_space<vmem>>, vector<16xf32>,
        %sub3A_764 = arith.subf %get3A_737, %get3A_751 : vector<16xf32>
        %sub3A_765 = arith.subf %get3A_744, %get3A_758 : vector<16xf32>
        %mul3A_766 = arith.mulf %sub3A_764, %sub3A_764 : vector<16xf32>
        %mul3A_767 = arith.mulf %sub3A_765, %sub3A_765 : vector<16xf32>
        %add3A_768 = arith.addf %mul3A_766, %mul3A_767 : vector<16xf32>
        %mul3A_769 = arith.mulf %add3A_768, %get3A_763 : vector<16xf32>
        %max3A_770 = arith.maximumf %scan3A_584, %mul3A_769 : vector<16xf32>
        %min3A_771 = arith.minimumf %scan3A_584, %mul3A_769 : vector<16xf32>
        %max3A_772 = arith.maximumf %scan3A_585, %min3A_771 : vector<16xf32>
        %min3A_773 = arith.minimumf %scan3A_585, %min3A_771 : vector<16xf32>
        %max3A_774 = arith.maximumf %scan3A_586, %min3A_773 : vector<16xf32>
        %min3A_775 = arith.minimumf %scan3A_586, %min3A_773 : vector<16xf32>
        %max3A_776 = arith.maximumf %scan3A_587, %min3A_775 : vector<16xf32>
        %min3A_777 = arith.minimumf %scan3A_587, %min3A_775 : vector<16xf32>
        %max3A_778 = arith.maximumf %scan3A_588, %min3A_777 : vector<16xf32>
        scf.yield %max3A, %max3A_628, %max3A_630, %max3A_632, %max3A_634, %max3A_674, %max3A_676, %max3A_678, %max3A_680, %max3A_682, %max3A_722, %max3A_724, %max3A_726, %max3A_728, %max3A_730, %max3A_770, %max3A_772, %max3A_774, %max3A_776, %max3A_778 : vector<16xf32>, vector<16xf32>, vector<16xf32>, vector<16xf32>, vector<16xf32>, vector<16xf32>, vector<16xf32>, vector<16xf32>, vector<16xf32>, vector<16xf32>, vector<16xf32>, vector<16xf32>, vector<16xf32>, vector<16xf32>, vector<16xf32>, vector<16xf32>, vector<16xf32>, vector<16xf32>, vector<16xf32>, vector<16xf32>
      }
      %scan3A_543 = arith.constant 133 : i32
      %get3A_544 = arith.constant 0 : index
      %get3A_545 = tpu.vector_load %arg9[%get3A_544] {strides = array<i32>} : memref<16xf32, #tpu.memory_space<vmem>>, vector<16xf32>,
      %add3A_546 = arith.addf %scan3A_542#0, %scan3A_542#1 : vector<16xf32>
      %add3A_547 = arith.addf %add3A_546, %scan3A_542#2 : vector<16xf32>
      %add3A_548 = arith.addf %add3A_547, %scan3A_542#3 : vector<16xf32>
      %add3A_549 = arith.addf %add3A_548, %scan3A_542#4 : vector<16xf32>
      %add3A_550 = arith.addf %get3A_545, %add3A_549 : vector<16xf32>
      %add3A_551 = arith.addf %scan3A_542#5, %scan3A_542#6 : vector<16xf32>
      %add3A_552 = arith.addf %add3A_551, %scan3A_542#7 : vector<16xf32>
      %add3A_553 = arith.addf %add3A_552, %scan3A_542#8 : vector<16xf32>
      %add3A_554 = arith.addf %add3A_553, %scan3A_542#9 : vector<16xf32>
      %add3A_555 = arith.addf %add3A_550, %add3A_554 : vector<16xf32>
      %add3A_556 = arith.addf %scan3A_542#10, %scan3A_542#11 : vector<16xf32>
      %add3A_557 = arith.addf %add3A_556, %scan3A_542#12 : vector<16xf32>
      %add3A_558 = arith.addf %add3A_557, %scan3A_542#13 : vector<16xf32>
      %add3A_559 = arith.addf %add3A_558, %scan3A_542#14 : vector<16xf32>
      %add3A_560 = arith.addf %add3A_555, %add3A_559 : vector<16xf32>
      %add3A_561 = arith.addf %scan3A_542#15, %scan3A_542#16 : vector<16xf32>
      %add3A_562 = arith.addf %add3A_561, %scan3A_542#17 : vector<16xf32>
      %add3A_563 = arith.addf %add3A_562, %scan3A_542#18 : vector<16xf32>
      %add3A_564 = arith.addf %add3A_563, %scan3A_542#19 : vector<16xf32>
      %add3A_565 = arith.addf %add3A_560, %add3A_564 : vector<16xf32>
      %swap3A_566 = arith.constant 0 : index
      %swap3A_567 = tpu.vector_load %arg9[%swap3A_566] {strides = array<i32>} : memref<16xf32, #tpu.memory_space<vmem>>, vector<16xf32>,
      tpu.vector_store %arg9[%swap3A_566], %add3A_565 {strides = array<i32>} : memref<16xf32, #tpu.memory_space<vmem>>, vector<16xf32>,
    }
    %scan3A_121 = arith.constant 4 : i32
    %mul3A_122 = arith.constant 16 : i32
    %mul3A_123 = arith.muli %add3A, %mul3A_122 : i32
    "tpu.region"() ({
      %run_scoped3A = tpu.sem_alloc : memref<!tpu.dma_semaphore, #tpu.memory_space<semaphore_mem>>
      %dma_start3A_124 = tpu.memref_slice %arg5[%mul3A_123] : memref<512xf32, #tpu.memory_space<hbm>> -> memref<16xf32, #tpu.memory_space<hbm>>
      %dma_start3A_125 = tpu.memref_slice %arg5[%mul3A_123] : memref<512xf32, #tpu.memory_space<hbm>> -> memref<16xf32, #tpu.memory_space<hbm>>
      tpu.enqueue_dma source(%arg9 : memref<16xf32, #tpu.memory_space<vmem>>) target(%dma_start3A_125 : memref<16xf32, #tpu.memory_space<hbm>>) target_semaphore(%run_scoped3A : memref<!tpu.dma_semaphore, #tpu.memory_space<semaphore_mem>>)
      %dma_wait3A = tpu.memref_slice %arg5[%mul3A_123] : memref<512xf32, #tpu.memory_space<hbm>> -> memref<16xf32, #tpu.memory_space<hbm>>
      %dma_wait3A_126 = tpu.memref_slice %arg5[%mul3A_123] : memref<512xf32, #tpu.memory_space<hbm>> -> memref<16xf32, #tpu.memory_space<hbm>>
      tpu.wait_dma2 semaphore(%run_scoped3A : memref<!tpu.dma_semaphore, #tpu.memory_space<semaphore_mem>>) src(%arg9 : memref<16xf32, #tpu.memory_space<vmem>>) dst(%dma_wait3A_126 : memref<16xf32, #tpu.memory_space<hbm>>)
      tpu.yield
    }) : () -> ()
    return
  }
}

</mosaic_0001>

<sc_bundles>
// kernel: kernel.3.cloned.1.call-start
scs
__scs_entry_jumppad:
0x0: {  	(pc) =	sbr.rel $0x88, $3  }
0x1: {  	(tag) =	ssettag $0x0;
	lr =	simm.s32 $0x1  }
0x2: {  	[smem:$0x3F9E] =	sst lr;
	_ =	strace $0xD0000000  }
0x3: {  	_ = 	snop  }
0x4: {  	_ = 	snop  }
0x5: {  	_ = 	snop  }
0x6: {  	_ = 	snop  }
0x7: {  	_ = 	snop  }
__scs_overlays_trampoline_lowered:
0x8: {  	[smem:$0x3FAD] =	sst s0  }
0x9: {  	[smem:$0x3FAE] =	sst s1  }
0xa: {  	[smem:$0x3FAF] =	sst s2  }
0xb: {  	[smem:$0x3FB0] =	sst s3  }
0xc: {  	[smem:$0x3FB1] =	sst s4  }
0xd: {  	[smem:$0x3FB2] =	sst s5  }
0xe: {  	[smem:$0x3FB3] =	sst s6  }
0xf: {  	[smem:$0x3FB4] =	sst s7  }
0x10: {  	[smem:$0x3FB5] =	sst s8  }
0x11: {  	[smem:$0x3FB6] =	sst s9;
	s0 =	simm.s32 @!p0 $0x0  }
0x12: {  	s1 =	sld [smem:$0x3F9C];
	s0 =	simm.s32 @p0 $0x1  }
0x13: {  	[smem:$0x3FB7] =	sst s0;
	s0 =	simm.s32 @!p1 $0x0  }
0x14: {  	s2 =	sld [smem:$0x3F9B];
	s0 =	simm.s32 @p1 $0x1  }
0x15: {  	[smem:$0x3FB8] =	sst s0;
	s0 =	simm.s32 @!p2 $0x0  }
0x16: {  	s3 =	sld [smem:$0x3FDB];
	s0 =	simm.s32 @p2 $0x1  }
0x17: {  	s4 =	simm.s32 $0x1BF5;
	[smem:$0x3FBA] =	sst s0  }
0x18: {  	s0 =	sld [smem:$0x3F9D];
	_ =	swait.ge [sflag:s4], $0x0  }
0x19: {  	s7 =	sld [smem:$0x3F9E]  }
0x1a: {  	s8 =	sadd.s32 $0xFFFFE003, lr  }
0x1b: {  	s9 =	sadd.s32 $0xFFFFFEF7, lr;
	s5 =	simm.s32 $0xFFFFFFFF;
	p2 =	slt.u32 s8, $0xFFFFF086  }
0x1c: {  	p1 =	slt.u32 s9, $0xF7A;
	s5 =	simm.s32 @!p2 $0x0  }
0x1d: {  	s5 =	simm.s32 @p1 $0x1;
	p0 =	seq.s32 s7, s2  }
0x1e: {  	s7 =	smul.u32 @!p0 $0xF7A, s2;
	p2 =	seq.s32 @!p0 s5, $0x0  }
0x1f: {  	s9 =	smul.u32 $0xF7A, s1;
	s8 =	simm.s32 @!p0 $0x1BF5;
	p2 =	por !p2, p0  }
0x20: {  	[sflag:s8] =	ssyncset.s32 @!p0 $0xFFFFF086;
	s6 =	sadd.s32 @!p0 s3, s7;
	s7 =	simm.s32 @!p0 $0x108  }
0x21: {  	s3 =	sadd.s32 s3, s9;
	s6 =	sadd.s32 @!p0 $0x88, s6;
	s7 =	simm.s32 @p2 $0x1082  }
0x22: {  	[simem:s7], [sflag:s8] =	dma.local @!p0 [hbm:s6], $0xF7A  }
0x23: {  	s9 =	sor.u32 $0xD0000000, s2;
	s6 =	simm.s32 $0x108;
	_ =	swait.ge @!p0 [sflag:s8], $0x0  }
0x24: {  	s3 =	sadd.s32 $0x88, s3;
	s6 =	simm.s32 @!p1 $0x1082;
	[sflag:s4] =	ssyncset.s32 $0xFFFFF086  }
0x25: {  	[simem:s6], [sflag:s4] =	dma.local [hbm:s3], $0xF7A  }
0x26: {  	[smem:$0x3F9E] =	sst s1;
	(tag) =	ssettag s2;
	_ =	strace s9  }
0x27: {  	s1 =	sld [smem:$0x3FAE]  }
0x28: {  	s2 =	sld [smem:$0x3FAF]  }
0x29: {  	s4 =	sld [smem:$0x3FB1]  }
0x2a: {  	p0 =	seq.s32 s5, $0x0;
	s5 =	sld [smem:$0x3FB2]  }
0x2b: {  	s6 =	sld [smem:$0x3FB3]  }
0x2c: {  	s7 =	sld [smem:$0x3FB4]  }
0x2d: {  	s3 =	simm.s32 $0x108;
	s8 =	sld [smem:$0x3FB5]  }
0x2e: {  	s3 =	simm.s32 @!p0 $0x1082;
	s9 =	sld [smem:$0x3FB6]  }
0x2f: {  	lr =	sadd.s32 s0, s3;
	s0 =	sld [smem:$0x3FAD]  }
0x30: {  	s3 =	sld [smem:$0x3FB0]  }
0x31: {  	[smem:$0x3FB9] =	sst s10  }
0x32: {  	s10 =	sld [smem:$0x3FB7];
	_ =	sdelay $0x3  }
0x33: {  	p0 =	seq.s32 s10, $0x1;
	s10 =	sld [smem:$0x3FB9];
	_ =	sdelay $0x3  }
0x34: {  	[smem:$0x3FB9] =	sst s10  }
0x35: {  	s10 =	sld [smem:$0x3FB8];
	_ =	sdelay $0x3  }
0x36: {  	p1 =	seq.s32 s10, $0x1;
	s10 =	sld [smem:$0x3FB9];
	_ =	sdelay $0x3  }
0x37: {  	[smem:$0x3FB9] =	sst s10  }
0x38: {  	s10 =	sld [smem:$0x3FBA]  }
0x39: {  	_ = 	snop;
	(pc) =	sbr.ind lr, $3  }
0x3a: {  	_ = 	snop  }
0x3b: {  	_ = 	snop  }
0x3c: {  	p2 =	seq.s32 s10, $0x1;
	s10 =	sld [smem:$0x3FB9]  }
0x3d: {  	_ =	shalt  }
0x3e: {  	_ =	shalt  }
0x3f: {  	_ =	shalt  }
0x40: {  	_ =	shalt  }
0x41: {  	_ =	shalt  }
0x42: {  	_ =	shalt  }
0x43: {  	_ =	shalt  }
0x44: {  	_ =	shalt  }
0x45: {  	_ =	shalt  }
0x46: {  	_ =	shalt  }
0x47: {  	_ =	shalt  }
0x48: {  	_ =	shalt  }
0x49: {  	_ =	shalt  }
0x4a: {  	_ =	shalt  }
0x4b: {  	_ =	shalt  }
0x4c: {  	_ =	shalt  }
0x4d: {  	_ =	shalt  }
0x4e: {  	_ =	shalt  }
0x4f: {  	_ =	shalt  }
0x50: {  	_ =	shalt  }
0x51: {  	_ =	shalt  }
0x52: {  	_ =	shalt  }
0x53: {  	_ =	shalt  }
0x54: {  	_ =	shalt  }
0x55: {  	_ =	shalt  }
0x56: {  	_ =	shalt  }
0x57: {  	_ =	shalt  }
0x58: {  	_ =	shalt  }
0x59: {  	_ =	shalt  }
0x5a: {  	_ =	shalt  }
0x5b: {  	_ =	shalt  }
0x5c: {  	_ =	shalt  }
0x5d: {  	_ =	shalt  }
0x5e: {  	_ =	shalt  }
0x5f: {  	_ =	shalt  }
0x60: {  	_ =	shalt  }
0x61: {  	_ =	shalt  }
0x62: {  	_ =	shalt  }
0x63: {  	_ =	shalt  }
0x64: {  	_ =	shalt  }
0x65: {  	_ =	shalt  }
0x66: {  	_ =	shalt  }
0x67: {  	_ =	shalt  }
0x68: {  	_ =	shalt  }
0x69: {  	_ =	shalt  }
0x6a: {  	_ =	shalt  }
0x6b: {  	_ =	shalt  }
0x6c: {  	_ =	shalt  }
0x6d: {  	_ =	shalt  }
0x6e: {  	_ =	shalt  }
0x6f: {  	_ =	shalt  }
0x70: {  	_ =	shalt  }
0x71: {  	_ =	shalt  }
0x72: {  	_ =	shalt  }
0x73: {  	_ =	shalt  }
0x74: {  	_ =	shalt  }
0x75: {  	_ =	shalt  }
0x76: {  	_ =	shalt  }
0x77: {  	_ =	shalt  }
0x78: {  	_ =	shalt  }
0x79: {  	_ =	shalt  }
0x7a: {  	_ =	shalt  }
0x7b: {  	_ =	shalt  }
0x7c: {  	_ =	shalt  }
0x7d: {  	_ =	shalt  }
0x7e: {  	_ =	shalt  }
0x7f: {  	_ =	shalt  }
0x80: {  	_ =	shalt  }
0x81: {  	_ =	shalt  }
0x82: {  	_ =	shalt  }
0x83: {  	_ =	shalt  }
0x84: {  	_ =	shalt  }
0x85: {  	_ =	shalt  }
0x86: {  	_ =	shalt  }
0x87: {  	_ =	shalt  }
.Lfunc_end0:
.L_simem_size_0:
called_computation_lowered:
.L_overlay_start_0:
0x88: {  	s2 =	sld [smem:$0x3FD9]  }
0x89: {  	s3 =	sld [smem:$0x3FFE];
	_ =	sdelay $0x1  }
0x8a: {  	s1 =	srdreg.scid  }
0x8b: {  	s0 =	sand.u32 $0x1, s1  }
0x8c: {  	s17 =	sshll.u32 s0, $0xA;
	s2 =	sadd.s32 s3, s2  }
0x8d: {  	s2 =	sadd.s32 s2, s17  }
0x8e: {  	[smem:$0x3FC5] =	sst s2  }
0x8f: {  	_ = 	snop  }
0x90: {  	s2 =	sld [smem:$0x3FC9]  }
0x91: {  	s18 =	sld [smem:$0x3FC8];
	(tm) =	ssettm $0x1  }
0x92: {  	s4 =	sld [smem:$0x3FFB];
	_ =	sdelay $0x3  }
0x93: {  	_ =	strace s4  }
0x94: {  	s4 =	sld [smem:$0x3FFC];
	_ =	sdelay $0x3  }
0x95: {  	_ =	strace s4  }
0x96: {  	s4 =	sld [smem:$0x3FFD];
	_ =	sdelay $0x3  }
0x97: {  	_ =	strace s4  }
0x98: {  	_ =	strace $0x8FFFFFFF  }
0x99: {  	s19 =	sld [smem:$0x3FDB];
	_ =	sdelay $0x1  }
0x9a: {  	s5 =	simm.s32 $_scs_section_size  }
0x9b: {  	s6 =	simm.s32 $_size__tile_overlayer_lowered;
	s7 =	simm.s32 $_tile_overlayer_lowered  }
0x9c: {  	s22 =	simm.s32 $0x1BFF;
	s21 =	sshll.u32 s7, $0x1;
	s4 =	sadd.s32 s5, s19  }
0x9d: {  	s8 =	simm.s32 $0x0;
	s20 =	sshll.u32 s6, $0x1;
	s6 =	sadd.s32 s21, s4  }
0x9e: {  	[timem:s8], [sflag:s22] =	dma.local [hbm:s6], s20  }
0x9f: {  	_ =	swait.ge [sflag:s22], s20  }
0xa0: {  	s5 =	ssub.s32 $0x0, s20;
	[sflag:s22] =	ssyncset.done $0x0  }
0xa1: {  	[sflag:s22] =	ssyncadd.s32 s5;
	_ =	sdelay $0x1  }
0xa2: {  	s23 =	simm.s32 $0x1B8B  }
0xa3: {  	_ =	swait.ge [sflag:s23], $0x1  }
0xa4: {  	[sflag:s23] =	ssyncset.done $0x0  }
0xa5: {  	s25 =	simm.s32 $0x1B8E;
	s24 =	sld [smem:$0x3FFE];
	[sflag:s23] =	ssyncadd.s32 $0xFFFFFFFF  }
0xa6: {  	s26 =	simm.s32 $execute0_lowered;
	[smem:$0x3FD2] =	sst s25  }
0xa7: {  	s6 =	sshll.u32 s26, $0x1;
	_ =	strace $0x80000046;
	[dreg:$0x1] =	wrdreg $0xFFFFFFFF  }
0xa8: {  	s28 =	simm.s32 $_size_execute0_lowered;
	s4 =	sadd.s32 s4, s6;
	[dreg:$0x0] =	wrdreg $0x0  }
0xa9: {  	s6 =	sshll.u32 s28, $0x1;
	[dreg:$0x2] =	wrdreg s4  }
0xaa: {  	[dreg:$0x3] =	wrdreg s6  }
0xab: {  	[dreg:$0x4] =	wrdreg $0xC0  }
0xac: {  	_ =	task [dreg:s8], $0x5FFFF  }
0xad: {  	[dreg:$0x1] =	wrdreg $0xFFFFFFFF  }
0xae: {  	[dreg:$0x0] =	wrdreg $0x60  }
0xaf: {  	[dreg:$0x2] =	wrdreg s2  }
0xb0: {  	[dreg:$0x3] =	wrdreg s18  }
0xb1: {  	[dreg:$0x4] =	wrdreg s24  }
0xb2: {  	[dreg:$0x5] =	wrdreg $0x9  }
0xb3: {  	_ =	task.clear_ibuf [dreg:s8], $0x6FFFF;
	_ =	strace $0x90000046  }
0xb4: {  	s29 =	simm.s32 $0x9;
	_ =	strace $0x80000048  }
0xb5: {  	_ =	swait.ge [sflag:s29], $0x1  }
0xb6: {  	[sflag:s29] =	ssyncadd.s32 $0xFFFFFFFF  }
0xb7: {  	_ =	strace $0x90000048  }
0xb8: {  	_ =	sfence  }
0xb9: {  	s30 =	sld [smem:$0x0];
	_ =	sdelay $0x2  }
0xba: {  	s31 =	sshll.u32 s1, $0xD;
	s1 =	sshrl.u32 s1, $0x2  }
0xbb: {  	s3 =	sand.u32 $0x4000, s31;
	s1 =	sadd.s32 s1, s30  }
0xbc: {  	s0 =	sor.u32 s3, s0;
	s1 =	sshll.u32 s1, $0x11  }
0xbd: {  	s0 =	sor.u32 s1, s0  }
0xbe: {  	s0 =	sadd.s32 $0x8F2B, s0  }
0xbf: {  	[sflag:s0] =	ssyncadd.remote.s32 $0x1  }
0xc0: {  	_ =	sfence.sel $0xFFFF  }
0xc1: {  	[dreg:$0x0] =	wrdreg $0xFFFFFFFF;
	(pc) =	sbr.abs _section_cstart, $3  }
0xc2: {  	[dreg:$0x1] =	wrdreg $0xFFFFFFFF  }
0xc3: {  	_ =	task.clear_ibuf [dreg:s8], $0x2FFFF;
	_ =	strace $0x9FFFFFFF  }
0xc4: {  	(tm) =	ssettm $0x7FFFFFFF  }
0xc5: {  	_ =	shalt  }
tec
execute0_lowered:
.L_overlay_start_1:
0x0: {  	(tag) =	ssettag $0x1  }
0x1: {  	s1 =	rddreg [dreg:$0x0]  }
0x2: {  	s2 =	rddreg [dreg:$0x1]  }
0x3: {  	s3 =	rddreg [dreg:$0x2];
	s0 =	srdreg.scid;
	s17 =	simm.s32 $0x0  }
0x4: {  	s5 =	stileid.u32;
	s15 =	simm.s32 $0x40;
	s16 =	simm.s32 $0x8000  }
0x5: {  	s20 =	simm.s32 $0x4000;
	s22 =	simm.s32 $0x4280;
	s23 =	simm.s32 $0x63C0  }
0x6: {  	s24 =	simm.s32 $0xC780;
	s25 =	simm.s32 $0xE8C0;
	s26 =	simm.s32 $0x12B40  }
0x7: {  	s28 =	simm.s32 $0x1;
	s29 =	simm.s32 $0x2;
	s0 =	sand.u32 $0x1, s0  }
0x8: {  	s31 =	simm.s32 $0x3;
	[smem:$0x7FF] =	sst s17;
	s4 =	sshll.u32 s0, $0x4  }
0x9: {  	_ =	strace $0x80000047;
	s0 =	ssub.s32 $0x2, s0;
	s4 =	sor.u32 s5, s4  }
0xa: {  	s7 =	sshrl.u32 s0, $0x1;
	s6 =	sshll.u32 s4, $0x1;
	s9 =	sshll.u32 s4, $0x7  }
0xb: {  	s0 =	ssub.s32 s0, s7;
	s13 =	sadd.s32 s6, s3;
	s10 =	sor.u32 $0x10, s9  }
0xc: {  	s6 =	sshll.u32 s4, $0x9;
	s30 =	sadd.s32 s1, s9;
	s9 =	sadd.s32 s2, s9  }
0xd: {  	s4 =	sshll.u32 s4, $0x6;
	s14 =	smax.u32 s0, $0x1;
	s0 =	simm.s32 $0x0  }
0xe: {  	[dreg:$0x4] =	wrdreg s30;
	s8 =	sadd.s32 s1, s10;
	s10 =	sadd.s32 s2, s10  }
0xf: {  	v0 =	vimm.f32 $0.0e+00;
	s11 =	sadd.s32 s3, s4;
	s12 =	sor.u32 $0x80, s6;
	s13 =	sadd.s32 $0x42800, s13  }
.LBB2_1:
0x10: {  	[tilespmem:$0x14C80] =	vst v0;
	s4 =	rddreg [dreg:$0x4]  }
0x11: {  	[tilespmem:s17], [sflag:$0x1] =	stream.strided.gather [hbm4b:s4+s15], $0x2140, s16, s15, $0x38;
	[tilespmem:$0x14C90] =	vst v63  }
0x12: {  	s18 =	simm.s32 $0x2140  }
0x13: {  	[tilespmem:s18], [sflag:$0x1] =	stream.strided.gather [hbm4b:s8+s15], $0x2140, s16, s15, $0x38;
	[tilespmem:$0x14C90] =	vst v63  }
0x14: {  	s19 =	simm.s32 $0x8500  }
0x15: {  	[tilespmem:s19], [sflag:$0x1] =	stream.strided.gather [hbm4b:s9+s15], $0x2140, s16, s15, $0x38;
	[tilespmem:$0x14C90] =	vst v63  }
0x16: {  	s21 =	simm.s32 $0xA640  }
0x17: {  	[tilespmem:s21], [sflag:$0x1] =	stream.strided.gather [hbm4b:s10+s15], $0x2140, s16, s15, $0x38;
	[tilespmem:$0x14C90] =	vst v63  }
0x18: {  	s30 =	simm.s32 $0x10A00;
	s4 =	simm.s32 $0x0  }
0x19: {  	[tilespmem:s30], [sflag:$0x1] =	stream.strided.gather [hbm4b:s11+s15], $0x2140, s20, s15, $0x38;
	[tilespmem:$0x14C90] =	vst v63  }
.LBB2_2:
0x1a: {  	s17 =	sshll.u32 s4, $0x7  }
0x1b: {  	s18 =	sor.u32 s17, s6  }
0x1c: {  	s19 =	sshrl.u32 s18, $0x2  }
0x1d: {  	s21 =	sor.u32 $0x8, s19  }
0x1e: {  	s19 =	sor.u32 $0x18, s19;
	s30 =	sadd.s32 s1, s21  }
0x1f: {  	[tilespmem:s22], [sflag:$0x2] =	stream.strided.gather [hbm4b:s30+s15], $0x2140, s16, s15, $0x38;
	[tilespmem:$0x14C90] =	vst v63  }
0x20: {  	s7 =	sadd.s32 s1, s19  }
0x21: {  	[tilespmem:s23], [sflag:$0x2] =	stream.strided.gather [hbm4b:s7+s15], $0x2140, s16, s15, $0x38;
	[tilespmem:$0x14C90] =	vst v63  }
0x22: {  	s18 =	sshrl.u32 s18, $0x3;
	s21 =	sadd.s32 s2, s21  }
0x23: {  	[tilespmem:s24], [sflag:$0x2] =	stream.strided.gather [hbm4b:s21+s15], $0x2140, s16, s15, $0x38;
	[tilespmem:$0x14C90] =	vst v63  }
0x24: {  	s18 =	sadd.s32 s18, s3;
	s19 =	sadd.s32 s2, s19  }
0x25: {  	[tilespmem:s25], [sflag:$0x2] =	stream.strided.gather [hbm4b:s19+s15], $0x2140, s16, s15, $0x38;
	[tilespmem:$0x14C90] =	vst v63  }
0x26: {  	s18 =	sadd.s32 $0x8, s18  }
0x27: {  	[tilespmem:s26], [sflag:$0x2] =	stream.strided.gather [hbm4b:s18+s15], $0x2140, s20, s15, $0x38;
	[tilespmem:$0x14C90] =	vst v63  }
0x28: {  	_ =	swait.ge [sflag:s28], $0x2140  }
0x29: {  	[sflag:s28] =	ssyncset.done $0x0  }
0x2a: {  	[sflag:s28] =	ssyncadd.s32 $0xFFFFDEC0  }
0x2b: {  	_ =	swait.ge [sflag:s28], $0x2140  }
0x2c: {  	[sflag:s28] =	ssyncset.done $0x0  }
0x2d: {  	[sflag:s28] =	ssyncadd.s32 $0xFFFFDEC0  }
0x2e: {  	_ =	swait.ge [sflag:s28], $0x2140  }
0x2f: {  	[sflag:s28] =	ssyncset.done $0x0  }
0x30: {  	[sflag:s28] =	ssyncadd.s32 $0xFFFFDEC0  }
0x31: {  	_ =	swait.ge [sflag:s28], $0x2140  }
0x32: {  	[sflag:s28] =	ssyncset.done $0x0  }
0x33: {  	[sflag:s28] =	ssyncadd.s32 $0xFFFFDEC0  }
0x34: {  	_ =	swait.ge [sflag:s28], $0x2140  }
0x35: {  	[sflag:s28] =	ssyncset.done $0x0  }
0x36: {  	s21 =	simm.s32 $0x0;
	[sflag:s28] =	ssyncadd.s32 $0xFFFFDEC0  }
0x37: {  	v1 =	vld [tilespmem:s21+$0x30]  }
0x38: {  	v2 =	vld [tilespmem:s21+$0x2170]  }
0x39: {  	v3 =	vld [tilespmem:s21+$0x8530]  }
0x3a: {  	v4 =	vld [tilespmem:s21+$0xA670]  }
0x3b: {  	v5 =	vld [tilespmem:s21+$0x0]  }
0x3c: {  	v6 =	vld [tilespmem:s21+$0x2140]  }
0x3d: {  	v7 =	vld [tilespmem:s21+$0x8500]  }
0x3e: {  	v8 =	vld [tilespmem:s21+$0xA640]  }
0x3f: {  	v9 =	vld [tilespmem:s21+$0x10]  }
0x40: {  	v10 =	vld [tilespmem:s21+$0x10A30]  }
0x41: {  	v11 =	vld [tilespmem:s21+$0x2150]  }
0x42: {  	v12 =	vld [tilespmem:s21+$0x8510]  }
0x43: {  	s30 =	simm.s32 $0x40;
	v13 =	vld [tilespmem:s21+$0x2160]  }
0x44: {  	v18 =	vld [tilespmem:s30+$0x2140]  }
0x45: {  	v22 =	vld [tilespmem:s30+$0xA640]  }
0x46: {  	v1 =	vsub.f32 v1, v3;
	v2 =	vsub.f32 v2, v4;
	v3 =	vld [tilespmem:s21+$0xA650]  }
0x47: {  	v4 =	vld [tilespmem:s21+$0x20];
	v5 =	vsub.f32 v5, v7;
	v6 =	vsub.f32 v6, v8  }
0x48: {  	v9 =	vsub.f32 v9, v12;
	v12 =	vld [tilespmem:s21+$0x10A00];
	v1 =	vmul.f32 v1, v1;
	v2 =	vmul.f32 v2, v2  }
0x49: {  	v7 =	vld [tilespmem:s21+$0x8520];
	v5 =	vmul.f32 v5, v5;
	v6 =	vmul.f32 v6, v6  }
0x4a: {  	v8 =	vld [tilespmem:s21+$0xA660];
	v1 =	vadd.f32 v2, v1  }
0x4b: {  	v18 =	vsub.f32 v18, v22;
	v5 =	vadd.f32 v6, v5  }
0x4c: {  	v14 =	vld [tilespmem:s21+$0x10A20];
	v9 =	vmul.f32 v9, v9;
	v3 =	vsub.f32 v11, v3;
	v1 =	vmul.f32 v1, v10  }
0x4d: {  	v31 =	vmul.f32 v18, v18;
	v2 =	vimm.f32 $-3.402823470e+38;
	v10 =	vld [tilespmem:s21+$0x10A10];
	v5 =	vmul.f32 v5, v12  }
0x4e: {  	v16 =	vld [tilespmem:s30+$0x30];
	v4 =	vsub.f32 v4, v7;
	v3 =	vmul.f32 v3, v3;
	v15 =	vmin.f32 v2, v1  }
0x4f: {  	v17 =	vld [tilespmem:s30+$0x2170];
	v6 =	vsub.f32 v13, v8;
	v11 =	vmax.f32 v2, v5;
	v20 =	vmin.f32 v2, v15  }
0x50: {  	v5 =	vmin.f32 v2, v5;
	v3 =	vadd.f32 v3, v9;
	v9 =	vld [tilespmem:s30+$0xA670];
	v23 =	vmin.f32 v2, v20  }
0x51: {  	v7 =	vld [tilespmem:s30+$0x8530];
	v6 =	vmul.f32 v6, v6;
	v21 =	vmin.f32 v2, v5;
	v8 =	vmin.f32 v2, v23  }
0x52: {  	v19 =	vld [tilespmem:s30+$0x8500];
	v3 =	vmul.f32 v3, v10;
	v24 =	vmax.f32 v2, v8;
	v8 =	vmul.f32 v4, v4  }
0x53: {  	v12 =	vmax.f32 v2, v5;
	v18 =	vmax.f32 v2, v15;
	v13 =	vmax.f32 v2, v21;
	v10 =	vld [tilespmem:s30+$0x0]  }
0x54: {  	v4 =	vmax.f32 v2, v3;
	v3 =	vmin.f32 v2, v3;
	v8 =	vadd.f32 v6, v8  }
0x55: {  	v25 =	vld [tilespmem:s30+$0x10];
	v6 =	vmax.f32 v2, v3;
	v3 =	vmin.f32 v2, v3;
	v9 =	vsub.f32 v17, v9  }
0x56: {  	v26 =	vld [tilespmem:s30+$0x2150];
	v17 =	vmin.f32 v2, v21;
	v8 =	vmul.f32 v8, v14;
	v14 =	vsub.f32 v16, v7  }
0x57: {  	v27 =	vmin.f32 v2, v3;
	v7 =	vmax.f32 v2, v3;
	v16 =	vld [tilespmem:s30+$0x10A30];
	v9 =	vmul.f32 v9, v9  }
0x58: {  	v10 =	vsub.f32 v10, v19;
	v19 =	vld [tilespmem:s30+$0x8510];
	v21 =	vmin.f32 v2, v8;
	v14 =	vmul.f32 v14, v14  }
0x59: {  	v5 =	vmax.f32 v2, v8;
	v8 =	vmax.f32 v2, v21;
	v3 =	vmin.f32 v2, v21;
	v21 =	vld [tilespmem:s30+$0xA650]  }
0x5a: {  	v29 =	vld [tilespmem:s30+$0x20];
	v20 =	vmax.f32 v2, v20;
	v15 =	vmax.f32 v2, v23;
	v22 =	vadd.f32 v9, v14  }
0x5b: {  	v34 =	vld [tilespmem:s30+$0x8520];
	v44 =	vmin.f32 v2, v17;
	v38 =	vmin.f32 v2, v27;
	v28 =	vmul.f32 v10, v10  }
0x5c: {  	v32 =	vld [tilespmem:s30+$0x2160];
	v10 =	vmax.f32 v2, v27;
	v9 =	vmax.f32 v2, v3;
	v22 =	vmul.f32 v22, v16  }
0x5d: {  	v14 =	vmax.f32 v2, v17;
	v17 =	vmax.f32 v2, v1;
	v1 =	vsub.f32 v25, v19;
	v25 =	vld [tilespmem:s30+$0xA660]  }
0x5e: {  	v36 =	vld [tilespmem:s30+$0x10A00];
	v30 =	vmin.f32 v2, v3;
	v19 =	vmin.f32 v17, v22;
	v26 =	vsub.f32 v26, v21  }
0x5f: {  	v3 =	vmax.f32 v2, v30;
	v39 =	vmin.f32 v2, v30;
	v21 =	vmin.f32 v18, v19  }
0x60: {  	v37 =	vld [tilespmem:s30+$0x10A10];
	v23 =	vmul.f32 v26, v26;
	v26 =	vadd.f32 v31, v28;
	v28 =	vsub.f32 v29, v34  }
0x61: {  	s18 =	simm.s32 $0x80;
	v33 =	vld [tilespmem:s30+$0x10A20];
	v27 =	vmovc v9;
	v35 =	vmul.f32 v1, v1;
	v30 =	vmov v13;
	v16 =	vmin.f32 v20, v21  }
0x62: {  	v34 =	vld [tilespmem:s18+$0x30];
	v43 =	vsub.f32 v32, v25;
	v32 =	vimm.f32 $-3.402823470e+38;
	v31 =	vmovc v6;
	v29 =	vmovc v8;
	v1 =	vmin.f32 v15, v16  }
0x63: {  	v25 =	vmovc v10;
	v1 =	vmax.f32 v24, v1;
	v41 =	vadd.f32 v23, v35;
	v35 =	vld [tilespmem:s18+$0x2170];
	v42 =	vmul.f32 v26, v36  }
0x64: {  	s19 =	simm.s32 $0x300;
	v36 =	vld [tilespmem:s18+$0x8530];
	v40 =	vmul.f32 v28, v28;
	v23 =	vmax.f32 v2, v44;
	v24 =	vmovc v3;
	v28 =	vmovc v7;
	v26 =	vmov v14  }
.LBB2_3:
0x65: {  	p0 =	sne.s32 s19, $0x8400;
	v44 =	vld [tilespmem:s18+$0xA670];
	v37 =	vmul.f32 v41, v37;
	v41 =	vmul.f32 v43, v43;
	v2 =	vmax.f32 v2, v38  }
0x66: {  	v32 =	vmax.f32 v32, v39;
	v38 =	vld [tilespmem:s18+$0x0];
	v43 =	vmin.f32 v11, v42;
	v11 =	vmax.f32 v11, v42  }
0x67: {  	v39 =	vld [tilespmem:s18+$0x2140];
	v42 =	vmin.f32 v4, v37;
	v4 =	vmax.f32 v4, v37;
	v37 =	vadd.f32 v41, v40  }
0x68: {  	v41 =	vmin.f32 v12, v43;
	v12 =	vmax.f32 v12, v43;
	v40 =	vld [tilespmem:s18+$0x8500];
	v6 =	vmax.f32 v6, v42  }
0x69: {  	v13 =	vmax.f32 v13, v41;
	v42 =	vmin.f32 v31, v42;
	v43 =	vld [tilespmem:s18+$0xA640];
	v33 =	vmul.f32 v37, v33;
	v31 =	vmovc v6  }
0x6a: {  	v34 =	vsub.f32 v34, v36;
	v7 =	vmax.f32 v7, v42;
	v37 =	vld [tilespmem:s18+$0x10];
	v35 =	vsub.f32 v35, v44  }
0x6b: {  	v41 =	vmin.f32 v30, v41;
	v30 =	vmovc v13;
	v36 =	vld [tilespmem:s18+$0x10A30];
	v44 =	vmin.f32 v5, v33;
	v5 =	vmax.f32 v5, v33  }
0x6c: {  	v34 =	vmul.f32 v34, v34;
	v33 =	vld [tilespmem:s18+$0x2150];
	v35 =	vmul.f32 v35, v35;
	v8 =	vmax.f32 v8, v44  }
0x6d: {  	v42 =	vmin.f32 v28, v42;
	v28 =	vmovc v7;
	v44 =	vmin.f32 v29, v44;
	v38 =	vsub.f32 v38, v40;
	v40 =	vld [tilespmem:s18+$0x8510]  }
0x6e: {  	v9 =	vmax.f32 v9, v44;
	v29 =	vmovc v8;
	v39 =	vsub.f32 v39, v43;
	v43 =	vld [tilespmem:s18+$0xA650];
	v34 =	vadd.f32 v35, v34  }
0x6f: {  	v14 =	vmax.f32 v14, v41;
	v44 =	vmin.f32 v27, v44;
	v27 =	vmovc v9;
	v35 =	vmul.f32 v38, v38;
	v38 =	vld [tilespmem:s18+$0x20]  }
0x70: {  	v10 =	vmax.f32 v10, v42;
	v39 =	vmul.f32 v39, v39;
	v45 =	vld [tilespmem:s18+$0x2160];
	v34 =	vmul.f32 v34, v36  }
0x71: {  	v17 =	vmax.f32 v17, v22;
	v46 =	vmin.f32 v26, v41;
	v26 =	vmovc v14;
	v3 =	vmax.f32 v3, v44;
	v36 =	vld [tilespmem:s18+$0x8520]  }
0x72: {  	v18 =	vmax.f32 v18, v19;
	v40 =	vsub.f32 v37, v40;
	v47 =	vld [tilespmem:s18+$0xA660];
	v19 =	vmin.f32 v17, v34;
	v22 =	vmovc v34  }
0x73: {  	v20 =	vmax.f32 v20, v21;
	v48 =	vld [tilespmem:s18+$0x10A00];
	v33 =	vsub.f32 v33, v43;
	v21 =	vmin.f32 v18, v19  }
.Ltmp0:
0x74: {  	v15 =	vmax.f32 v15, v16;
	v37 =	vld [tilespmem:s18+$0x10A10];
	v40 =	vmul.f32 v40, v40;
	v16 =	vmin.f32 v20, v21;
	(pc) =	sbr.rel @p0 .LBB2_3-.Ltmp0, $4  }
0x75: {  	v49 =	vadd.f32 v39, v35;
	v39 =	vmul.f32 v33, v33;
	v33 =	vld [tilespmem:s18+$0x10A20];
	s18 =	sshra.s32 s19, $0x2;
	v35 =	vmin.f32 v15, v16  }
0x76: {  	v34 =	vld [tilespmem:s18+$0x30];
	v50 =	vsub.f32 v38, v36;
	v1 =	vmax.f32 v1, v35;
	v38 =	vmin.f32 v25, v42;
	v25 =	vmovc v10  }
0x77: {  	v35 =	vld [tilespmem:s18+$0x2170];
	v41 =	vadd.f32 v39, v40;
	v43 =	vsub.f32 v45, v47;
	v39 =	vmin.f32 v24, v44;
	v24 =	vmovc v3  }
0x78: {  	v23 =	vmax.f32 v23, v46;
	s19 =	sadd.s32 $0x100, s19;
	v36 =	vld [tilespmem:s18+$0x8530];
	v42 =	vmul.f32 v49, v48;
	v40 =	vmul.f32 v50, v50  }
0x79: {  	v44 =	vld [tilespmem:s18+$0xA670]  }
0x7a: {  	v61 =	vld [tilespmem:s18+$0x0]  }
0x7b: {  	v37 =	vmul.f32 v41, v37;
	v60 =	vmul.f32 v43, v43;
	v63 =	vld [tilespmem:s18+$0x2140]  }
0x7c: {  	v2 =	vmax.f32 v2, v38;
	v32 =	vmax.f32 v32, v39;
	v46 =	vld [tilespmem:s18+$0x8500];
	v17 =	vmax.f32 v17, v22  }
0x7d: {  	v48 =	vld [tilespmem:s18+$0x10];
	v18 =	vmax.f32 v18, v19;
	v20 =	vmax.f32 v20, v21;
	v62 =	vmax.f32 v11, v42  }
0x7e: {  	v53 =	vld [tilespmem:s18+$0x8510];
	v11 =	vmin.f32 v11, v42;
	v45 =	vmax.f32 v4, v37;
	v40 =	vadd.f32 v60, v40  }
0x7f: {  	v55 =	vld [tilespmem:s18+$0x2160];
	v4 =	vmin.f32 v4, v37;
	v47 =	vmax.f32 v12, v11;
	v11 =	vmin.f32 v12, v11  }
0x80: {  	v22 =	vld [tilespmem:s18+$0xA660];
	v15 =	vmax.f32 v15, v16;
	v6 =	vmax.f32 v6, v4;
	v13 =	vmax.f32 v13, v11  }
0x81: {  	v51 =	vld [tilespmem:s18+$0x2150];
	v4 =	vmin.f32 v31, v4;
	v11 =	vmin.f32 v30, v11;
	v33 =	vmul.f32 v40, v33  }
0x82: {  	v12 =	vld [tilespmem:s18+$0xA640];
	v31 =	vsub.f32 v34, v36;
	v7 =	vmax.f32 v7, v4;
	v4 =	vmin.f32 v28, v4  }
0x83: {  	v28 =	vld [tilespmem:s18+$0xA650];
	v14 =	vmax.f32 v14, v11;
	v11 =	vmin.f32 v26, v11;
	v49 =	vsub.f32 v35, v44  }
0x84: {  	v41 =	vsub.f32 v61, v46;
	v10 =	vmax.f32 v10, v4;
	v26 =	vsub.f32 v48, v53  }
0x85: {  	v50 =	vld [tilespmem:s18+$0x10A30];
	v4 =	vmin.f32 v25, v4;
	v22 =	vsub.f32 v55, v22;
	v30 =	vmax.f32 v5, v33  }
0x86: {  	v5 =	vmin.f32 v5, v33;
	v31 =	vmul.f32 v31, v31;
	v52 =	vmul.f32 v49, v49  }
0x87: {  	v19 =	vld [tilespmem:s18+$0x10A00];
	v8 =	vmax.f32 v8, v5;
	v5 =	vmin.f32 v29, v5;
	v12 =	vsub.f32 v63, v12  }
0x88: {  	v21 =	vld [tilespmem:s18+$0x10A10];
	v54 =	vmul.f32 v41, v41;
	v29 =	vadd.f32 v52, v31;
	v28 =	vsub.f32 v51, v28  }
0x89: {  	v26 =	vmul.f32 v26, v26;
	v9 =	vmax.f32 v9, v5;
	v31 =	vld [tilespmem:s18+$0x20];
	v12 =	vmul.f32 v12, v12  }
0x8a: {  	v5 =	vmin.f32 v27, v5;
	v27 =	vmul.f32 v29, v50;
	v29 =	vld [tilespmem:s18+$0x8520];
	v16 =	vmul.f32 v28, v28  }
0x8b: {  	v11 =	vmax.f32 v23, v11;
	v2 =	vmax.f32 v2, v4;
	v3 =	vmax.f32 v3, v5  }
0x8c: {  	v5 =	vmin.f32 v24, v5;
	v12 =	vadd.f32 v12, v54;
	v16 =	vadd.f32 v16, v26  }
0x8d: {  	v22 =	vmul.f32 v22, v22;
	v5 =	vmax.f32 v32, v5;
	v56 =	vmin.f32 v17, v27  }
0x8e: {  	v12 =	vmul.f32 v12, v19;
	v17 =	vmax.f32 v17, v27;
	v16 =	vmul.f32 v16, v21  }
0x8f: {  	v57 =	vmin.f32 v18, v56;
	v18 =	vmax.f32 v18, v56;
	v28 =	vsub.f32 v31, v29  }
0x90: {  	v25 =	vld [tilespmem:s18+$0x10A20];
	v58 =	vmin.f32 v20, v57;
	v21 =	vmax.f32 v45, v16;
	v16 =	vmin.f32 v45, v16  }
0x91: {  	v4 =	vmax.f32 v62, v12;
	v19 =	vmul.f32 v28, v28;
	v23 =	vmin.f32 v6, v16  }
0x92: {  	v12 =	vmin.f32 v62, v12;
	v6 =	vmax.f32 v6, v16;
	v24 =	vmax.f32 v7, v23  }
0x93: {  	v19 =	vadd.f32 v22, v19;
	v22 =	vmax.f32 v47, v12;
	v12 =	vmin.f32 v47, v12  }
0x94: {  	v7 =	vmin.f32 v7, v23;
	v6 =	vadd.f32 v6, v21;
	v16 =	vmax.f32 v13, v12  }
0x95: {  	v12 =	vmin.f32 v13, v12;
	v4 =	vadd.f32 v22, v4;
	v19 =	vmul.f32 v19, v25  }
0x96: {  	v6 =	vadd.f32 v24, v6;
	v22 =	vmax.f32 v14, v12;
	v12 =	vmin.f32 v14, v12  }
0x97: {  	v4 =	vadd.f32 v16, v4;
	v13 =	vmax.f32 v30, v19;
	v19 =	vmin.f32 v30, v19  }
0x98: {  	v16 =	vld [tilespmem:$0x14C80];
	v11 =	vmax.f32 v11, v12;
	v25 =	vmax.f32 v8, v19;
	v8 =	vmin.f32 v8, v19  }
0x99: {  	v4 =	vadd.f32 v22, v4;
	v19 =	vmax.f32 v9, v8;
	v8 =	vmin.f32 v9, v8  }
0x9a: {  	v9 =	vmax.f32 v10, v7;
	v12 =	vadd.f32 v25, v13;
	v7 =	vmin.f32 v10, v7  }
0x9b: {  	v10 =	vmax.f32 v20, v57;
	v4 =	vadd.f32 v11, v4;
	v6 =	vadd.f32 v9, v6  }
0x9c: {  	v2 =	vmax.f32 v2, v7;
	v9 =	vadd.f32 v18, v17;
	v7 =	vadd.f32 v19, v12  }
0x9d: {  	v14 =	vmax.f32 v3, v8;
	v4 =	vadd.f32 v16, v4;
	v2 =	vadd.f32 v2, v6  }
0x9e: {  	v3 =	vmin.f32 v3, v8;
	v6 =	vadd.f32 v14, v7;
	v7 =	vadd.f32 v10, v9  }
0x9f: {  	v8 =	vmax.f32 v15, v58;
	v3 =	vmax.f32 v5, v3;
	v2 =	vadd.f32 v4, v2  }
0xa0: {  	v4 =	vmin.f32 v15, v58;
	v3 =	vadd.f32 v3, v6;
	v5 =	vadd.f32 v8, v7  }
0xa1: {  	v1 =	vmax.f32 v1, v4  }
0xa2: {  	v2 =	vadd.f32 v2, v3;
	v1 =	vadd.f32 v1, v5  }
0xa3: {  	p0 =	seq.s32 s4, $0x3  }
0xa4: {  	s17 =	sadd.s32 @!p0 s17, s12;
	v1 =	vadd.f32 v2, v1  }
0xa5: {  	s21 =	simm.s32 @!p0 $0x40;
	s18 =	sshrl.u32 @!p0 s17, $0x2  }
0xa6: {  	s30 =	simm.s32 @!p0 $0x8000;
	s5 =	simm.s32 @!p0 $0x0;
	s19 =	sadd.s32 @!p0 s1, s18;
	[tilespmem:$0x14C80] =	vst v1  }
0xa7: {  	[tilespmem:s5], [sflag:$0x1] =	stream.strided.gather @!p0 [hbm4b:s19+s21], $0x2140, s30, s21, $0x38;
	[tilespmem:$0x14C90] =	vst v63  }
0xa8: {  	s5 =	sor.u32 @!p0 $0x10, s18  }
0xa9: {  	s7 =	simm.s32 @!p0 $0x2140;
	s19 =	sadd.s32 @!p0 s1, s5  }
0xaa: {  	[tilespmem:s7], [sflag:$0x1] =	stream.strided.gather @!p0 [hbm4b:s19+s21], $0x2140, s30, s21, $0x38;
	[tilespmem:$0x14C90] =	vst v63  }
0xab: {  	s7 =	sadd.s32 @!p0 s2, s18;
	s18 =	simm.s32 @!p0 $0x8500  }
0xac: {  	[tilespmem:s18], [sflag:$0x1] =	stream.strided.gather @!p0 [hbm4b:s7+s21], $0x2140, s30, s21, $0x38;
	[tilespmem:$0x14C90] =	vst v63  }
0xad: {  	s5 =	sadd.s32 @!p0 s2, s5;
	s7 =	simm.s32 @!p0 $0xA640  }
0xae: {  	[tilespmem:s7], [sflag:$0x1] =	stream.strided.gather @!p0 [hbm4b:s5+s21], $0x2140, s30, s21, $0x38;
	[tilespmem:$0x14C90] =	vst v63  }
0xaf: {  	s5 =	sshrl.u32 @!p0 s17, $0x3  }
0xb0: {  	s7 =	simm.s32 @!p0 $0x4000;
	s17 =	simm.s32 @!p0 $0x10A00;
	s5 =	sadd.s32 @!p0 s3, s5  }
0xb1: {  	[tilespmem:s17], [sflag:$0x1] =	stream.strided.gather @!p0 [hbm4b:s5+s21], $0x2140, s7, s21, $0x38;
	[tilespmem:$0x14C90] =	vst v63  }
0xb2: {  	_ =	swait.ge [sflag:s29], $0x2140  }
0xb3: {  	[sflag:s29] =	ssyncset.done $0x0  }
0xb4: {  	[sflag:s29] =	ssyncadd.s32 $0xFFFFDEC0  }
0xb5: {  	_ =	swait.ge [sflag:s29], $0x2140  }
0xb6: {  	[sflag:s29] =	ssyncset.done $0x0  }
0xb7: {  	[sflag:s29] =	ssyncadd.s32 $0xFFFFDEC0  }
0xb8: {  	_ =	swait.ge [sflag:s29], $0x2140  }
0xb9: {  	[sflag:s29] =	ssyncset.done $0x0  }
0xba: {  	[sflag:s29] =	ssyncadd.s32 $0xFFFFDEC0  }
0xbb: {  	_ =	swait.ge [sflag:s29], $0x2140  }
0xbc: {  	[sflag:s29] =	ssyncset.done $0x0  }
0xbd: {  	[sflag:s29] =	ssyncadd.s32 $0xFFFFDEC0  }
0xbe: {  	_ =	swait.ge [sflag:s29], $0x2140  }
0xbf: {  	[sflag:s29] =	ssyncset.done $0x0  }
0xc0: {  	s21 =	simm.s32 $0x0;
	[sflag:s29] =	ssyncadd.s32 $0xFFFFDEC0  }
0xc1: {  	v1 =	vld [tilespmem:s21+$0x42B0]  }
0xc2: {  	v2 =	vld [tilespmem:s21+$0x63F0]  }
0xc3: {  	v3 =	vld [tilespmem:s21+$0xC7B0]  }
0xc4: {  	v4 =	vld [tilespmem:s21+$0xE8F0]  }
0xc5: {  	v5 =	vld [tilespmem:s21+$0x4280]  }
0xc6: {  	v6 =	vld [tilespmem:s21+$0x63C0]  }
0xc7: {  	v7 =	vld [tilespmem:s21+$0xC780]  }
0xc8: {  	v8 =	vld [tilespmem:s21+$0xE8C0]  }
0xc9: {  	v9 =	vld [tilespmem:s21+$0x4290]  }
0xca: {  	v10 =	vld [tilespmem:s21+$0x12B70]  }
0xcb: {  	v11 =	vld [tilespmem:s21+$0x63D0]  }
0xcc: {  	v12 =	vld [tilespmem:s21+$0xC790]  }
0xcd: {  	s30 =	simm.s32 $0x40;
	v13 =	vld [tilespmem:s21+$0x63E0]  }
0xce: {  	v18 =	vld [tilespmem:s30+$0x63C0]  }
0xcf: {  	v22 =	vld [tilespmem:s30+$0xE8C0]  }
0xd0: {  	v1 =	vsub.f32 v1, v3;
	v2 =	vsub.f32 v2, v4;
	v3 =	vld [tilespmem:s21+$0xE8D0]  }
0xd1: {  	v4 =	vld [tilespmem:s21+$0x42A0];
	v5 =	vsub.f32 v5, v7;
	v6 =	vsub.f32 v6, v8  }
0xd2: {  	v9 =	vsub.f32 v9, v12;
	v12 =	vld [tilespmem:s21+$0x12B40];
	v1 =	vmul.f32 v1, v1;
	v2 =	vmul.f32 v2, v2  }
0xd3: {  	v7 =	vld [tilespmem:s21+$0xC7A0];
	v5 =	vmul.f32 v5, v5;
	v6 =	vmul.f32 v6, v6  }
0xd4: {  	v8 =	vld [tilespmem:s21+$0xE8E0];
	v1 =	vadd.f32 v2, v1  }
0xd5: {  	v32 =	vimm.f32 $-3.402823470e+38;
	v5 =	vadd.f32 v6, v5  }
0xd6: {  	v14 =	vld [tilespmem:s21+$0x12B60];
	v18 =	vsub.f32 v18, v22;
	v3 =	vsub.f32 v11, v3;
	v1 =	vmul.f32 v1, v10  }
0xd7: {  	v9 =	vmul.f32 v9, v9;
	v2 =	vimm.f32 $-3.402823470e+38;
	v10 =	vld [tilespmem:s21+$0x12B50];
	v5 =	vmul.f32 v5, v12  }
0xd8: {  	v16 =	vld [tilespmem:s30+$0x42B0];
	v4 =	vsub.f32 v4, v7;
	v3 =	vmul.f32 v3, v3;
	v15 =	vmin.f32 v2, v1  }
0xd9: {  	v17 =	vld [tilespmem:s30+$0x63F0];
	v6 =	vsub.f32 v13, v8;
	v11 =	vmax.f32 v2, v5;
	v20 =	vmin.f32 v2, v15  }
0xda: {  	v5 =	vmin.f32 v2, v5;
	v3 =	vadd.f32 v3, v9;
	v9 =	vld [tilespmem:s30+$0xE8F0];
	v23 =	vmin.f32 v2, v20  }
0xdb: {  	v7 =	vld [tilespmem:s30+$0xC7B0];
	v6 =	vmul.f32 v6, v6;
	v21 =	vmin.f32 v2, v5;
	v8 =	vmin.f32 v2, v23  }
0xdc: {  	v19 =	vld [tilespmem:s30+$0xC780];
	v3 =	vmul.f32 v3, v10;
	v24 =	vmax.f32 v2, v8;
	v8 =	vmul.f32 v4, v4  }
0xdd: {  	v31 =	vmul.f32 v18, v18;
	v12 =	vmax.f32 v2, v5;
	v13 =	vmax.f32 v2, v21;
	v10 =	vld [tilespmem:s30+$0x4280]  }
0xde: {  	v4 =	vmax.f32 v2, v3;
	v3 =	vmin.f32 v2, v3;
	v8 =	vadd.f32 v6, v8  }
0xdf: {  	v25 =	vld [tilespmem:s30+$0x4290];
	v6 =	vmax.f32 v2, v3;
	v3 =	vmin.f32 v2, v3;
	v9 =	vsub.f32 v17, v9  }
0xe0: {  	v26 =	vld [tilespmem:s30+$0x63D0];
	v17 =	vmin.f32 v2, v21;
	v8 =	vmul.f32 v8, v14;
	v14 =	vsub.f32 v16, v7  }
0xe1: {  	v27 =	vmin.f32 v2, v3;
	v7 =	vmax.f32 v2, v3;
	v16 =	vld [tilespmem:s30+$0x12B70];
	v9 =	vmul.f32 v9, v9  }
0xe2: {  	v10 =	vsub.f32 v10, v19;
	v19 =	vld [tilespmem:s30+$0xC790];
	v21 =	vmin.f32 v2, v8;
	v14 =	vmul.f32 v14, v14  }
0xe3: {  	v5 =	vmax.f32 v2, v8;
	v8 =	vmax.f32 v2, v21;
	v3 =	vmin.f32 v2, v21;
	v21 =	vld [tilespmem:s30+$0xE8D0]  }
0xe4: {  	v29 =	vld [tilespmem:s30+$0x42A0];
	v18 =	vmax.f32 v2, v15;
	v20 =	vmax.f32 v2, v20;
	v22 =	vadd.f32 v9, v14  }
0xe5: {  	v60 =	vld [tilespmem:s30+$0xC7A0];
	v15 =	vmax.f32 v2, v23;
	v61 =	vmin.f32 v2, v17;
	v38 =	vmin.f32 v2, v27  }
0xe6: {  	v59 =	vld [tilespmem:s30+$0x63E0];
	v28 =	vmul.f32 v10, v10;
	v10 =	vmax.f32 v2, v27;
	v22 =	vmul.f32 v22, v16  }
0xe7: {  	v14 =	vmax.f32 v2, v17;
	v17 =	vmax.f32 v2, v1;
	v1 =	vsub.f32 v25, v19;
	v25 =	vld [tilespmem:s30+$0xE8E0]  }
0xe8: {  	v62 =	vld [tilespmem:s30+$0x12B40];
	v30 =	vmin.f32 v2, v3;
	v19 =	vmin.f32 v17, v22;
	v26 =	vsub.f32 v26, v21  }
0xe9: {  	v9 =	vmax.f32 v2, v3;
	v3 =	vmax.f32 v2, v30;
	v21 =	vmin.f32 v18, v19  }
0xea: {  	v37 =	vld [tilespmem:s30+$0x12B50];
	v23 =	vmul.f32 v26, v26;
	v26 =	vadd.f32 v31, v28;
	v28 =	vsub.f32 v29, v60  }
0xeb: {  	s17 =	simm.s32 $0x80;
	v33 =	vld [tilespmem:s30+$0x12B60];
	v39 =	vmin.f32 v2, v30;
	v27 =	vmovc v9;
	v63 =	vmul.f32 v1, v1;
	v16 =	vmin.f32 v20, v21  }
0xec: {  	v34 =	vld [tilespmem:s17+$0x42B0];
	v30 =	vmovc v13;
	v43 =	vsub.f32 v59, v25;
	v31 =	vmovc v6;
	v29 =	vmov v8;
	v1 =	vmin.f32 v15, v16  }
0xed: {  	v35 =	vld [tilespmem:s17+$0x63F0];
	v25 =	vmovc v10;
	v1 =	vmax.f32 v24, v1;
	v41 =	vadd.f32 v23, v63;
	v42 =	vmul.f32 v26, v62  }
0xee: {  	s18 =	simm.s32 $0x300;
	v36 =	vld [tilespmem:s17+$0xC7B0];
	v40 =	vmul.f32 v28, v28;
	v23 =	vmax.f32 v2, v61;
	v24 =	vmovc v3;
	v28 =	vmovc v7;
	v26 =	vmov v14  }
.LBB2_5:
0xef: {  	p0 =	sne.s32 s18, $0x8400;
	v44 =	vld [tilespmem:s17+$0xE8F0];
	v37 =	vmul.f32 v41, v37;
	v41 =	vmul.f32 v43, v43;
	v2 =	vmax.f32 v2, v38  }
0xf0: {  	v32 =	vmax.f32 v32, v39;
	v38 =	vld [tilespmem:s17+$0x4280];
	v43 =	vmin.f32 v11, v42;
	v11 =	vmax.f32 v11, v42  }
0xf1: {  	v39 =	vld [tilespmem:s17+$0x63C0];
	v42 =	vmin.f32 v4, v37;
	v4 =	vmax.f32 v4, v37;
	v37 =	vadd.f32 v41, v40  }
0xf2: {  	v41 =	vmin.f32 v12, v43;
	v12 =	vmax.f32 v12, v43;
	v40 =	vld [tilespmem:s17+$0xC780];
	v6 =	vmax.f32 v6, v42  }
0xf3: {  	v13 =	vmax.f32 v13, v41;
	v42 =	vmin.f32 v31, v42;
	v43 =	vld [tilespmem:s17+$0xE8C0];
	v33 =	vmul.f32 v37, v33;
	v31 =	vmovc v6  }
0xf4: {  	v34 =	vsub.f32 v34, v36;
	v7 =	vmax.f32 v7, v42;
	v37 =	vld [tilespmem:s17+$0x4290];
	v35 =	vsub.f32 v35, v44  }
0xf5: {  	v41 =	vmin.f32 v30, v41;
	v30 =	vmovc v13;
	v36 =	vld [tilespmem:s17+$0x12B70];
	v44 =	vmin.f32 v5, v33;
	v5 =	vmax.f32 v5, v33  }
0xf6: {  	v34 =	vmul.f32 v34, v34;
	v33 =	vld [tilespmem:s17+$0x63D0];
	v35 =	vmul.f32 v35, v35;
	v8 =	vmax.f32 v8, v44  }
0xf7: {  	v42 =	vmin.f32 v28, v42;
	v28 =	vmovc v7;
	v44 =	vmin.f32 v29, v44;
	v38 =	vsub.f32 v38, v40;
	v40 =	vld [tilespmem:s17+$0xC790]  }
0xf8: {  	v9 =	vmax.f32 v9, v44;
	v29 =	vmovc v8;
	v39 =	vsub.f32 v39, v43;
	v43 =	vld [tilespmem:s17+$0xE8D0];
	v34 =	vadd.f32 v35, v34  }
0xf9: {  	v14 =	vmax.f32 v14, v41;
	v44 =	vmin.f32 v27, v44;
	v27 =	vmovc v9;
	v35 =	vmul.f32 v38, v38;
	v38 =	vld [tilespmem:s17+$0x42A0]  }
0xfa: {  	v10 =	vmax.f32 v10, v42;
	v39 =	vmul.f32 v39, v39;
	v45 =	vld [tilespmem:s17+$0x63E0];
	v34 =	vmul.f32 v34, v36  }
0xfb: {  	v17 =	vmax.f32 v17, v22;
	v46 =	vmin.f32 v26, v41;
	v26 =	vmovc v14;
	v3 =	vmax.f32 v3, v44;
	v36 =	vld [tilespmem:s17+$0xC7A0]  }
0xfc: {  	v18 =	vmax.f32 v18, v19;
	v40 =	vsub.f32 v37, v40;
	v47 =	vld [tilespmem:s17+$0xE8E0];
	v19 =	vmin.f32 v17, v34;
	v22 =	vmovc v34  }
0xfd: {  	v20 =	vmax.f32 v20, v21;
	v48 =	vld [tilespmem:s17+$0x12B40];
	v33 =	vsub.f32 v33, v43;
	v21 =	vmin.f32 v18, v19  }
.Ltmp1:
0xfe: {  	v15 =	vmax.f32 v15, v16;
	v37 =	vld [tilespmem:s17+$0x12B50];
	v40 =	vmul.f32 v40, v40;
	v16 =	vmin.f32 v20, v21;
	(pc) =	sbr.rel @p0 .LBB2_5-.Ltmp1, $4  }
0xff: {  	v49 =	vadd.f32 v39, v35;
	v39 =	vmul.f32 v33, v33;
	v33 =	vld [tilespmem:s17+$0x12B60];
	s17 =	sshra.s32 s18, $0x2;
	v35 =	vmin.f32 v15, v16  }
0x100: {  	v34 =	vld [tilespmem:s17+$0x42B0];
	v50 =	vsub.f32 v38, v36;
	v1 =	vmax.f32 v1, v35;
	v38 =	vmin.f32 v25, v42;
	v25 =	vmovc v10  }
0x101: {  	v35 =	vld [tilespmem:s17+$0x63F0];
	v41 =	vadd.f32 v39, v40;
	v43 =	vsub.f32 v45, v47;
	v39 =	vmin.f32 v24, v44;
	v24 =	vmovc v3  }
0x102: {  	v23 =	vmax.f32 v23, v46;
	s18 =	sadd.s32 $0x100, s18;
	v36 =	vld [tilespmem:s17+$0xC7B0];
	v42 =	vmul.f32 v49, v48;
	v40 =	vmul.f32 v50, v50  }
0x103: {  	v44 =	vld [tilespmem:s17+$0xE8F0]  }
0x104: {  	v56 =	vld [tilespmem:s17+$0x4280]  }
0x105: {  	v58 =	vld [tilespmem:s17+$0x63C0]  }
0x106: {  	v37 =	vmul.f32 v41, v37;
	v55 =	vmul.f32 v43, v43;
	v2 =	vmax.f32 v2, v38;
	v59 =	vld [tilespmem:s17+$0xC780]  }
0x107: {  	v32 =	vmax.f32 v32, v39;
	v61 =	vld [tilespmem:s17+$0xE8C0];
	v17 =	vmax.f32 v17, v22;
	v18 =	vmax.f32 v18, v19  }
0x108: {  	v62 =	vld [tilespmem:s17+$0x4290];
	v20 =	vmax.f32 v20, v21;
	v15 =	vmax.f32 v15, v16;
	v38 =	vmax.f32 v11, v42  }
0x109: {  	v46 =	vld [tilespmem:s17+$0x63D0];
	v57 =	vmin.f32 v11, v42;
	v39 =	vmax.f32 v4, v37;
	v40 =	vadd.f32 v55, v40  }
0x10a: {  	v49 =	vld [tilespmem:s17+$0xC790];
	v60 =	vmin.f32 v4, v37;
	v37 =	vmax.f32 v12, v57;
	v11 =	vmin.f32 v12, v57  }
0x10b: {  	v50 =	vld [tilespmem:s17+$0xE8D0];
	v6 =	vmax.f32 v6, v60;
	v13 =	vmax.f32 v13, v11;
	v4 =	vmin.f32 v31, v60  }
0x10c: {  	v11 =	vmin.f32 v30, v11;
	v33 =	vmul.f32 v40, v33;
	v63 =	vsub.f32 v34, v36  }
0x10d: {  	v45 =	vld [tilespmem:s17+$0x12B70];
	v7 =	vmax.f32 v7, v4;
	v4 =	vmin.f32 v28, v4;
	v14 =	vmax.f32 v14, v11  }
0x10e: {  	v54 =	vld [tilespmem:s17+$0x63E0];
	v11 =	vmin.f32 v26, v11;
	v44 =	vsub.f32 v35, v44;
	v41 =	vsub.f32 v56, v59  }
0x10f: {  	v57 =	vld [tilespmem:s17+$0xE8E0];
	v12 =	vsub.f32 v58, v61;
	v10 =	vmax.f32 v10, v4;
	v58 =	vsub.f32 v62, v49  }
0x110: {  	v52 =	vld [tilespmem:s17+$0x42A0];
	v28 =	vsub.f32 v46, v50;
	v4 =	vmin.f32 v25, v4;
	v11 =	vmax.f32 v23, v11  }
0x111: {  	v60 =	vld [tilespmem:s17+$0x12B40];
	v30 =	vmax.f32 v5, v33;
	v47 =	vmin.f32 v5, v33;
	v31 =	vmul.f32 v63, v63  }
0x112: {  	v56 =	vld [tilespmem:s17+$0xC7A0];
	v2 =	vmax.f32 v2, v4;
	v48 =	vmul.f32 v44, v44;
	v8 =	vmax.f32 v8, v47  }
0x113: {  	v62 =	vld [tilespmem:s17+$0x12B50];
	v5 =	vmin.f32 v29, v47;
	v53 =	vmul.f32 v41, v41;
	v12 =	vmul.f32 v12, v12  }
0x114: {  	v26 =	vmul.f32 v58, v58;
	v33 =	vmul.f32 v28, v28;
	v22 =	vsub.f32 v54, v57  }
0x115: {  	v9 =	vmax.f32 v9, v5;
	v5 =	vmin.f32 v27, v5;
	v51 =	vadd.f32 v48, v31  }
0x116: {  	v3 =	vmax.f32 v3, v5;
	v12 =	vadd.f32 v12, v53;
	v16 =	vadd.f32 v33, v26  }
0x117: {  	v22 =	vmul.f32 v22, v22;
	v40 =	vsub.f32 v52, v56;
	v55 =	vmul.f32 v51, v45  }
0x118: {  	v5 =	vmin.f32 v24, v5;
	v12 =	vmul.f32 v12, v60;
	v16 =	vmul.f32 v16, v62  }
0x119: {  	v5 =	vmax.f32 v32, v5;
	v43 =	vmul.f32 v40, v40;
	v59 =	vmin.f32 v17, v55  }
0x11a: {  	v44 =	vmax.f32 v38, v12;
	v12 =	vmin.f32 v38, v12;
	v21 =	vmax.f32 v39, v16  }
0x11b: {  	v16 =	vmin.f32 v39, v16;
	v17 =	vmax.f32 v17, v55;
	v61 =	vmin.f32 v18, v59  }
0x11c: {  	v42 =	vld [tilespmem:s17+$0x12B60];
	v19 =	vadd.f32 v22, v43;
	v45 =	vmax.f32 v37, v12;
	v12 =	vmin.f32 v37, v12  }
0x11d: {  	v46 =	vmin.f32 v6, v16;
	v6 =	vmax.f32 v6, v16;
	v18 =	vmax.f32 v18, v59  }
0x11e: {  	v63 =	vmin.f32 v20, v61;
	v47 =	vmax.f32 v13, v12;
	v48 =	vmax.f32 v7, v46  }
0x11f: {  	v12 =	vmin.f32 v13, v12;
	v4 =	vadd.f32 v45, v44;
	v7 =	vmin.f32 v7, v46  }
0x120: {  	v6 =	vadd.f32 v6, v21;
	v57 =	vadd.f32 v18, v17;
	v58 =	vmax.f32 v20, v61  }
0x121: {  	v19 =	vmul.f32 v19, v42;
	v51 =	vmax.f32 v14, v12;
	v52 =	vmax.f32 v10, v7  }
0x122: {  	v12 =	vmin.f32 v14, v12;
	v7 =	vmin.f32 v10, v7;
	v61 =	vmax.f32 v15, v63  }
0x123: {  	v4 =	vadd.f32 v47, v4;
	v49 =	vmax.f32 v30, v19;
	v19 =	vmin.f32 v30, v19  }
0x124: {  	v54 =	vld [tilespmem:$0x14C80];
	v6 =	vadd.f32 v48, v6;
	v11 =	vmax.f32 v11, v12;
	v50 =	vmax.f32 v8, v19  }
0x125: {  	v8 =	vmin.f32 v8, v19;
	v4 =	vadd.f32 v51, v4;
	v55 =	vadd.f32 v50, v49  }
0x126: {  	v2 =	vmax.f32 v2, v7;
	v6 =	vadd.f32 v52, v6;
	v19 =	vmax.f32 v9, v8  }
0x127: {  	v8 =	vmin.f32 v9, v8;
	v4 =	vadd.f32 v11, v4;
	v56 =	vadd.f32 v19, v55  }
0x128: {  	v60 =	vadd.f32 v58, v57;
	v53 =	vmax.f32 v3, v8;
	v2 =	vadd.f32 v2, v6  }
0x129: {  	v3 =	vmin.f32 v3, v8;
	v4 =	vadd.f32 v54, v4;
	v59 =	vadd.f32 v53, v56  }
0x12a: {  	v62 =	vmin.f32 v15, v63;
	v63 =	vadd.f32 v61, v60;
	v3 =	vmax.f32 v5, v3  }
0x12b: {  	s4 =	sadd.s32 $0x1, s4;
	v2 =	vadd.f32 v4, v2;
	v3 =	vadd.f32 v3, v59  }
0x12c: {  	p0 =	sne.s32 s4, $0x4;
	v1 =	vmax.f32 v1, v62  }
.Ltmp2:
0x12d: {  	v1 =	vadd.f32 v1, v63;
	v2 =	vadd.f32 v2, v3;
	(pc) =	sbr.rel @p0 .LBB2_2-.Ltmp2, $3  }
0x12e: {  	_ = 	snop  }
0x12f: {  	v1 =	vadd.f32 v2, v1;
	_ =	sdelay $0x1  }
0x130: {  	[tilespmem:$0x14C80] =	vst v1  }
0x131: {  	s0 =	sadd.s32 $0x1, s0  }
0x132: {  	p0 =	sne.s32 s0, s14  }
.Ltmp3:
0x133: {  	s17 =	simm.s32 $0x0;
	s4 =	simm.s32 $0x14C80;
	(pc) =	sbr.rel @p0 .LBB2_1-.Ltmp3, $4  }
0x134: {  	[hbm4b:s13+s17] =	stream.linear.scatter [tilespmem:s4], [sflag:$0x3], $0x10, $0x38;
	[tilespmem:$0x14C90] =	vst v63  }
0x135: {  	_ =	swait.ge [sflag:s31], $0x10  }
0x136: {  	[sflag:s31] =	ssyncset.done $0x0  }
0x137: {  	[sflag:s31] =	ssyncadd.s32 $0xFFFFFFF0  }
0x138: {  	_ =	sfence.sel $0x180000  }
0x139: {  	[bflag:$0x0] =	sbarrier.arrive $0xFFFF  }
0x13a: {  	_ =	strace $0x90000047  }
0x13b: {  	s0 =	stileid.u32;
	[bflag:$0x2] =	sbarrier.arrive $0xFFFF  }
0x13c: {  	p0 =	sne.s32 s0, $0x0;
	s0 =	rddreg [dreg:$0x3]  }
0x13d: {  	s0 =	sadd.s32 @!p0 $0x100000, s0  }
0x13e: {  	[sflag:s0] =	ssyncadd.tile.s32 @!p0 $0x1;
	_ =	shalt  }
.Lfunc_end2:
_tile_overlayer_lowered:
.L_overlay_start_2:
0x13f: {  	(tag) =	ssettag $0x2  }
0x140: {  	s0 =	rddreg [dreg:$0x0];
	s2 =	stileid.u32  }
0x141: {  	s1 =	rddreg [dreg:$0x1];
	p0 =	sne.s32 s2, $0x0  }
0x142: {  	s3 =	rddreg [dreg:$0x2];
	[bflag:$0x3] =	sbarrier.arrive $0xFFFF;
	s2 =	simm.s32 @!p0 $0x1C03  }
0x143: {  	[timem:s3], [sflag:s2] =	dma.local @!p0 [hbm:s0], s1  }
0x144: {  	s0 =	simm.s32 @!p0 $0x3  }
0x145: {  	_ =	swait.ge @!p0 [sflag:s0], s1  }
0x146: {  	s1 =	ssub.s32 @!p0 $0x0, s1;
	[sflag:s0] =	ssyncset.done @!p0 $0x0  }
0x147: {  	[sflag:s0] =	ssyncadd.s32 @!p0 s1  }
0x148: {  	[bflag:$0x3] =	sbarrier.arrive $0xFFFF  }
0x149: {  	_ =	shalt  }

</sc_bundles>
